<compile_context>
chip_gen: v7x
topology: tpu7x:2x2x1
jax: 0.10.2.dev20260603
libtpu: 0.0.44.dev20260713+nightly
codegen_flags: <defaults>
</compile_context>

<pallas_src>
import jax
import jax.numpy as jnp
from jax import lax
from jax.experimental import pallas as pl
from jax.experimental.pallas import tpu as pltpu
from jax.experimental.pallas import tpu_sc as plsc

_MAX_SEQ_LENGTH = 2048
_CHUNK_ROWS = 32


def _sc_pad_body(
    x_hbm, z_hbm, o_hbm, zseed, bufs, in_sem, out_sem, zero_sem, seed_sem
):
    b, s, f = x_hbm.shape
    pad = _MAX_SEQ_LENGTH - s
    info = plsc.get_sparse_core_info()
    nc, ns = info.num_cores, info.num_subcores
    nw = nc * ns
    wpr = nw // b
    rows_c = s // wpr
    rows_z = pad // wpr
    cr = _CHUNK_ROWS
    nchunks = rows_c // cr

    cid = lax.axis_index("c")
    sid = lax.axis_index("s")
    w = sid * nc + cid

    @pl.when(sid == 0)
    def _seed():
        pltpu.async_copy(z_hbm, zseed, seed_sem).wait()

    plsc.subcore_barrier()

    i = w // wpr
    q = w % wpr
    base = q * rows_c

    zp = pltpu.make_async_copy(
        zseed,
        o_hbm.at[pl.ds(i, 1), pl.ds(s + q * rows_z, rows_z)],
        zero_sem,
    )
    zp.start()

    def cin(k):
        return pltpu.make_async_copy(
            x_hbm.at[pl.ds(i, 1), pl.ds(base + k * cr, cr)],
            bufs.at[k % 2],
            in_sem,
        )

    def cout(k):
        return pltpu.make_async_copy(
            bufs.at[k % 2],
            o_hbm.at[pl.ds(i, 1), pl.ds(base + k * cr, cr)],
            out_sem,
        )

    cin(0).start()
    for k in range(nchunks):
        if k + 1 < nchunks:
            if k >= 1:
                cout(k - 1).wait()
            cin(k + 1).start()
        cin(k).wait()
        cout(k).start()

    for k in range(max(0, nchunks - 2), nchunks):
        cout(k).wait()
    zp.wait()


def kernel(x):
    b, s, f = x.shape
    out_s = _MAX_SEQ_LENGTH
    pad = out_s - s
    info = plsc.get_sparse_core_info()
    nw = info.num_cores * info.num_subcores
    rows_z = pad // (nw // b)

    zeros_seed = jnp.zeros((1, rows_z, f), x.dtype)

    sc_kernel = pl.kernel(
        _sc_pad_body,
        out_type=jax.ShapeDtypeStruct((b, out_s, f), x.dtype),
        mesh=plsc.VectorSubcoreMesh(core_axis_name="c", subcore_axis_name="s"),
        scratch_types=[
            pltpu.VMEM_SHARED((1, rows_z, f), x.dtype),
            pltpu.VMEM((2, 1, _CHUNK_ROWS, f), x.dtype),
            pltpu.SemaphoreType.DMA,
            pltpu.SemaphoreType.DMA,
            pltpu.SemaphoreType.DMA,
            pltpu.SemaphoreType.DMA,
        ],
    )
    return sc_kernel(x, zeros_seed)

# --- scband reference (transcript-rebuilt; emitter-appended) ---
"""Pipeline reference for scband-padder-27350351741033 (READ-ONLY COPY).

The authoritative reference and input builder live on the scoring server;
editing this copy changes nothing except your own understanding.
"""

import jax, jax.numpy as jnp
import numpy as np

MAX_SEQ_LENGTH = 2048

def setup_inputs(seed: int = 0) -> dict:
    key = jax.random.key(seed)
    x = jax.random.normal(key, (8, 1024, 1024), dtype=jnp.float32)
    return {"x": x}

def reference(x):
    # Torch Padder: takes batch of sequences (iterated as list of [seq_len, d])
    # and zero-pads each along the sequence axis to MAX_SEQ_LENGTH.
    # All sequences here share length seq_len = x.shape[1] <= MAX_SEQ_LENGTH.
    batch_size, seq_len, ent_features = x.shape
    pad_len = MAX_SEQ_LENGTH - seq_len
    output = jnp.pad(x, ((0, 0), (0, pad_len), (0, 0)), mode="constant", constant_values=0.0)
    return output

if __name__ == "__main__":
    import jax
    _d = setup_inputs()
    print(jax.jit(kernel)(*tuple(_d.values())))

</pallas_src>

<mosaic_0001>
#map = affine_map<(d0, d1) -> (0, 0, 0)>
module attributes {stable_mosaic.version = 14 : i64} {
  func.func @_sc_pad_body(%arg0: i32, %arg1: i32, %arg2: memref<8x1024x1024xf32, #tpu.memory_space<hbm>>, %arg3: memref<1x256x1024xf32, #tpu.memory_space<hbm>>, %arg4: memref<8x2048x1024xf32, #tpu.memory_space<hbm>>, %arg5: memref<1x256x1024xf32, #tpu.memory_space<vmem_shared>>, %arg6: memref<2x1x32x1024xf32, #tpu.memory_space<vmem>>, %arg7: memref<!tpu.dma_semaphore, #tpu.memory_space<semaphore_mem>>, %arg8: memref<!tpu.dma_semaphore, #tpu.memory_space<semaphore_mem>>, %arg9: memref<!tpu.dma_semaphore, #tpu.memory_space<semaphore_mem>>, %arg10: memref<!tpu.dma_semaphore, #tpu.memory_space<semaphore_mem>>) attributes {dimension_semantics = [#tpu.dimension_semantics<core_parallel>, #tpu.dimension_semantics<subcore_parallel>], iteration_bounds = array<i64: 2, 16>, scalar_prefetch = 0 : i64, scratch_operands = 6 : i64, tpu.core_type = #tpu.core_type<sc_vector_subcore>, window_params = [{transform_indices = #map}, {transform_indices = #map}, {transform_indices = #map}]} {
    %mul3A = arith.constant 2 : i32
    %mul3A_0 = arith.muli %arg1, %mul3A : i32
    %add3A = arith.addi %mul3A_0, %arg0 : i32
    %eq3A = arith.constant 0 : i32
    %eq3A_1 = arith.cmpi eq, %arg1, %eq3A : i32
    %convert_element_type3A = arith.extui %eq3A_1 : i1 to i32
    %cond3A = arith.constant 0 : i32
    %cond3A_2 = arith.cmpi ne, %convert_element_type3A, %cond3A : i32
    scf.if %cond3A_2 {
      tpu.enqueue_dma source(%arg3 : memref<1x256x1024xf32, #tpu.memory_space<hbm>>) target(%arg5 : memref<1x256x1024xf32, #tpu.memory_space<vmem_shared>>) target_semaphore(%arg10 : memref<!tpu.dma_semaphore, #tpu.memory_space<semaphore_mem>>)
      tpu.wait_dma2 semaphore(%arg10 : memref<!tpu.dma_semaphore, #tpu.memory_space<semaphore_mem>>) src(%arg3 : memref<1x256x1024xf32, #tpu.memory_space<hbm>>) dst(%arg5 : memref<1x256x1024xf32, #tpu.memory_space<vmem_shared>>)
    } else {
    }
    %barrier3A = arith.constant 0 : index
    tpu.barrier barrier_id(%barrier3A)
    %jit3A = arith.constant 4 : i32
    %div3A = arith.divsi %add3A, %jit3A : i32
    %sign3A = arith.constant 0 : i32
    %sign3A_3 = arith.cmpi sgt, %add3A, %sign3A : i32
    %sign3A_4 = arith.extui %sign3A_3 : i1 to i32
    %sign3A_5 = arith.constant 0 : i32
    %sign3A_6 = arith.cmpi slt, %add3A, %sign3A_5 : i32
    %sign3A_7 = arith.extui %sign3A_6 : i1 to i32
    %sign3A_8 = arith.subi %sign3A_4, %sign3A_7 : i32
    %sign3A_9 = arith.constant 0 : i32
    %sign3A_10 = arith.cmpi sgt, %jit3A, %sign3A_9 : i32
    %sign3A_11 = arith.extui %sign3A_10 : i1 to i32
    %sign3A_12 = arith.constant 0 : i32
    %sign3A_13 = arith.cmpi slt, %jit3A, %sign3A_12 : i32
    %sign3A_14 = arith.extui %sign3A_13 : i1 to i32
    %sign3A_15 = arith.subi %sign3A_11, %sign3A_14 : i32
    %ne3A = arith.cmpi ne, %sign3A_8, %sign3A_15 : i32
    %rem3A = arith.remsi %add3A, %jit3A : i32
    %ne3A_16 = arith.constant 0 : i32
    %ne3A_17 = arith.cmpi ne, %rem3A, %ne3A_16 : i32
    %and3A = arith.andi %ne3A, %ne3A_17 : i1
    %sub3A = arith.constant 1 : i32
    %sub3A_18 = arith.subi %div3A, %sub3A : i32
    %select_n3A = arith.select %and3A, %sub3A_18, %div3A : i32
    %jit3A_19 = arith.constant 4 : i32
    %eq3A_20 = arith.constant 0 : i32
    %eq3A_21 = arith.cmpi eq, %jit3A_19, %eq3A_20 : i32
    %jit3A_22 = arith.constant 1 : i32
    %select_n3A_23 = arith.select %eq3A_21, %jit3A_22, %jit3A_19 : i32
    %rem3A_24 = arith.remsi %add3A, %select_n3A_23 : i32
    %ne3A_25 = arith.constant 0 : i32
    %ne3A_26 = arith.cmpi ne, %rem3A_24, %ne3A_25 : i32
    %lt3A = arith.constant 0 : i32
    %lt3A_27 = arith.cmpi slt, %rem3A_24, %lt3A : i32
    %lt3A_28 = arith.constant 0 : i32
    %lt3A_29 = arith.cmpi slt, %select_n3A_23, %lt3A_28 : i32
    %ne3A_30 = arith.xori %lt3A_27, %lt3A_29 : i1
    %and3A_31 = arith.andi %ne3A_30, %ne3A_26 : i1
    %add3A_32 = arith.addi %rem3A_24, %select_n3A_23 : i32
    %select_n3A_33 = arith.select %and3A_31, %add3A_32, %rem3A_24 : i32
    %mul3A_34 = arith.constant 256 : i32
    %mul3A_35 = arith.muli %select_n3A_33, %mul3A_34 : i32
    %mul3A_36 = arith.constant 256 : i32
    %mul3A_37 = arith.muli %select_n3A_33, %mul3A_36 : i32
    %add3A_38 = arith.constant 1024 : i32
    %add3A_39 = arith.addi %add3A_38, %mul3A_37 : i32
    %dma_start3A = arith.constant 0 : i32
    %dma_start3A_40 = tpu.memref_slice %arg4[%select_n3A, %add3A_39, %dma_start3A] : memref<8x2048x1024xf32, #tpu.memory_space<hbm>> -> memref<1x256x1024xf32, #tpu.memory_space<hbm>>
    tpu.enqueue_dma source(%arg5 : memref<1x256x1024xf32, #tpu.memory_space<vmem_shared>>) target(%dma_start3A_40 : memref<1x256x1024xf32, #tpu.memory_space<hbm>>) target_semaphore(%arg9 : memref<!tpu.dma_semaphore, #tpu.memory_space<semaphore_mem>>)
    %add3A_41 = arith.constant 0 : i32
    %add3A_42 = arith.addi %mul3A_35, %add3A_41 : i32
    %dma_start3A_43 = arith.constant 0 : i32
    %dma_start3A_44 = arith.constant 0 : i32
    %dma_start3A_45 = arith.constant 0 : i32
    %dma_start3A_46 = arith.constant 0 : i32
    %dma_start3A_47 = tpu.memref_slice %arg6[%dma_start3A_43, %dma_start3A_44, %dma_start3A_45, %dma_start3A_46] : memref<2x1x32x1024xf32, #tpu.memory_space<vmem>> -> memref<1x1x32x1024xf32, #tpu.memory_space<vmem>>
    %dma_start3A_48 = tpu.memref_squeeze %dma_start3A_47 : memref<1x1x32x1024xf32, #tpu.memory_space<vmem>> -> memref<1x32x1024xf32, #tpu.memory_space<vmem>>
    %dma_start3A_49 = arith.constant 0 : i32
    %dma_start3A_50 = tpu.memref_slice %arg2[%select_n3A, %add3A_42, %dma_start3A_49] : memref<8x1024x1024xf32, #tpu.memory_space<hbm>> -> memref<1x32x1024xf32, #tpu.memory_space<hbm>>
    %dma_start3A_51 = arith.constant 0 : i32
    %dma_start3A_52 = arith.constant 0 : i32
    %dma_start3A_53 = arith.constant 0 : i32
    %dma_start3A_54 = tpu.memref_slice %arg6[%dma_start3A_43, %dma_start3A_51, %dma_start3A_52, %dma_start3A_53] : memref<2x1x32x1024xf32, #tpu.memory_space<vmem>> -> memref<1x1x32x1024xf32, #tpu.memory_space<vmem>>
    %dma_start3A_55 = tpu.memref_squeeze %dma_start3A_54 : memref<1x1x32x1024xf32, #tpu.memory_space<vmem>> -> memref<1x32x1024xf32, #tpu.memory_space<vmem>>
    %dma_start3A_56 = arith.constant 0 : i32
    %dma_start3A_57 = tpu.memref_slice %arg2[%select_n3A, %add3A_42, %dma_start3A_56] : memref<8x1024x1024xf32, #tpu.memory_space<hbm>> -> memref<1x32x1024xf32, #tpu.memory_space<hbm>>
    tpu.enqueue_dma source(%dma_start3A_57 : memref<1x32x1024xf32, #tpu.memory_space<hbm>>) target(%dma_start3A_55 : memref<1x32x1024xf32, #tpu.memory_space<vmem>>) target_semaphore(%arg7 : memref<!tpu.dma_semaphore, #tpu.memory_space<semaphore_mem>>)
    %add3A_58 = arith.constant 32 : i32
    %add3A_59 = arith.addi %mul3A_35, %add3A_58 : i32
    %dma_start3A_60 = arith.constant 1 : i32
    %dma_start3A_61 = arith.constant 0 : i32
    %dma_start3A_62 = arith.constant 0 : i32
    %dma_start3A_63 = arith.constant 0 : i32
    %dma_start3A_64 = tpu.memref_slice %arg6[%dma_start3A_60, %dma_start3A_61, %dma_start3A_62, %dma_start3A_63] : memref<2x1x32x1024xf32, #tpu.memory_space<vmem>> -> memref<1x1x32x1024xf32, #tpu.memory_space<vmem>>
    %dma_start3A_65 = tpu.memref_squeeze %dma_start3A_64 : memref<1x1x32x1024xf32, #tpu.memory_space<vmem>> -> memref<1x32x1024xf32, #tpu.memory_space<vmem>>
    %dma_start3A_66 = arith.constant 0 : i32
    %dma_start3A_67 = tpu.memref_slice %arg2[%select_n3A, %add3A_59, %dma_start3A_66] : memref<8x1024x1024xf32, #tpu.memory_space<hbm>> -> memref<1x32x1024xf32, #tpu.memory_space<hbm>>
    %dma_start3A_68 = arith.constant 0 : i32
    %dma_start3A_69 = arith.constant 0 : i32
    %dma_start3A_70 = arith.constant 0 : i32
    %dma_start3A_71 = tpu.memref_slice %arg6[%dma_start3A_60, %dma_start3A_68, %dma_start3A_69, %dma_start3A_70] : memref<2x1x32x1024xf32, #tpu.memory_space<vmem>> -> memref<1x1x32x1024xf32, #tpu.memory_space<vmem>>
    %dma_start3A_72 = tpu.memref_squeeze %dma_start3A_71 : memref<1x1x32x1024xf32, #tpu.memory_space<vmem>> -> memref<1x32x1024xf32, #tpu.memory_space<vmem>>
    %dma_start3A_73 = arith.constant 0 : i32
    %dma_start3A_74 = tpu.memref_slice %arg2[%select_n3A, %add3A_59, %dma_start3A_73] : memref<8x1024x1024xf32, #tpu.memory_space<hbm>> -> memref<1x32x1024xf32, #tpu.memory_space<hbm>>
    tpu.enqueue_dma source(%dma_start3A_74 : memref<1x32x1024xf32, #tpu.memory_space<hbm>>) target(%dma_start3A_72 : memref<1x32x1024xf32, #tpu.memory_space<vmem>>) target_semaphore(%arg7 : memref<!tpu.dma_semaphore, #tpu.memory_space<semaphore_mem>>)
    %add3A_75 = arith.constant 0 : i32
    %add3A_76 = arith.addi %mul3A_35, %add3A_75 : i32
    %dma_wait3A = arith.constant 0 : i32
    %dma_wait3A_77 = arith.constant 0 : i32
    %dma_wait3A_78 = arith.constant 0 : i32
    %dma_wait3A_79 = arith.constant 0 : i32
    %dma_wait3A_80 = tpu.memref_slice %arg6[%dma_wait3A, %dma_wait3A_77, %dma_wait3A_78, %dma_wait3A_79] : memref<2x1x32x1024xf32, #tpu.memory_space<vmem>> -> memref<1x1x32x1024xf32, #tpu.memory_space<vmem>>
    %dma_wait3A_81 = tpu.memref_squeeze %dma_wait3A_80 : memref<1x1x32x1024xf32, #tpu.memory_space<vmem>> -> memref<1x32x1024xf32, #tpu.memory_space<vmem>>
    %dma_wait3A_82 = arith.constant 0 : i32
    %dma_wait3A_83 = tpu.memref_slice %arg2[%select_n3A, %add3A_76, %dma_wait3A_82] : memref<8x1024x1024xf32, #tpu.memory_space<hbm>> -> memref<1x32x1024xf32, #tpu.memory_space<hbm>>
    %dma_wait3A_84 = arith.constant 0 : i32
    %dma_wait3A_85 = arith.constant 0 : i32
    %dma_wait3A_86 = arith.constant 0 : i32
    %dma_wait3A_87 = tpu.memref_slice %arg6[%dma_wait3A, %dma_wait3A_84, %dma_wait3A_85, %dma_wait3A_86] : memref<2x1x32x1024xf32, #tpu.memory_space<vmem>> -> memref<1x1x32x1024xf32, #tpu.memory_space<vmem>>
    %dma_wait3A_88 = tpu.memref_squeeze %dma_wait3A_87 : memref<1x1x32x1024xf32, #tpu.memory_space<vmem>> -> memref<1x32x1024xf32, #tpu.memory_space<vmem>>
    %dma_wait3A_89 = arith.constant 0 : i32
    %dma_wait3A_90 = tpu.memref_slice %arg2[%select_n3A, %add3A_76, %dma_wait3A_89] : memref<8x1024x1024xf32, #tpu.memory_space<hbm>> -> memref<1x32x1024xf32, #tpu.memory_space<hbm>>
    tpu.wait_dma2 semaphore(%arg7 : memref<!tpu.dma_semaphore, #tpu.memory_space<semaphore_mem>>) src(%dma_wait3A_90 : memref<1x32x1024xf32, #tpu.memory_space<hbm>>) dst(%dma_wait3A_88 : memref<1x32x1024xf32, #tpu.memory_space<vmem>>)
    %add3A_91 = arith.constant 0 : i32
    %add3A_92 = arith.addi %mul3A_35, %add3A_91 : i32
    %dma_start3A_93 = arith.constant 0 : i32
    %dma_start3A_94 = arith.constant 0 : i32
    %dma_start3A_95 = arith.constant 0 : i32
    %dma_start3A_96 = arith.constant 0 : i32
    %dma_start3A_97 = tpu.memref_slice %arg6[%dma_start3A_93, %dma_start3A_94, %dma_start3A_95, %dma_start3A_96] : memref<2x1x32x1024xf32, #tpu.memory_space<vmem>> -> memref<1x1x32x1024xf32, #tpu.memory_space<vmem>>
    %dma_start3A_98 = tpu.memref_squeeze %dma_start3A_97 : memref<1x1x32x1024xf32, #tpu.memory_space<vmem>> -> memref<1x32x1024xf32, #tpu.memory_space<vmem>>
    %dma_start3A_99 = arith.constant 0 : i32
    %dma_start3A_100 = tpu.memref_slice %arg4[%select_n3A, %add3A_92, %dma_start3A_99] : memref<8x2048x1024xf32, #tpu.memory_space<hbm>> -> memref<1x32x1024xf32, #tpu.memory_space<hbm>>
    %dma_start3A_101 = arith.constant 0 : i32
    %dma_start3A_102 = tpu.memref_slice %arg4[%select_n3A, %add3A_92, %dma_start3A_101] : memref<8x2048x1024xf32, #tpu.memory_space<hbm>> -> memref<1x32x1024xf32, #tpu.memory_space<hbm>>
    %dma_start3A_103 = arith.constant 0 : i32
    %dma_start3A_104 = arith.constant 0 : i32
    %dma_start3A_105 = arith.constant 0 : i32
    %dma_start3A_106 = tpu.memref_slice %arg6[%dma_start3A_93, %dma_start3A_103, %dma_start3A_104, %dma_start3A_105] : memref<2x1x32x1024xf32, #tpu.memory_space<vmem>> -> memref<1x1x32x1024xf32, #tpu.memory_space<vmem>>
    %dma_start3A_107 = tpu.memref_squeeze %dma_start3A_106 : memref<1x1x32x1024xf32, #tpu.memory_space<vmem>> -> memref<1x32x1024xf32, #tpu.memory_space<vmem>>
    tpu.enqueue_dma source(%dma_start3A_107 : memref<1x32x1024xf32, #tpu.memory_space<vmem>>) target(%dma_start3A_102 : memref<1x32x1024xf32, #tpu.memory_space<hbm>>) target_semaphore(%arg8 : memref<!tpu.dma_semaphore, #tpu.memory_space<semaphore_mem>>)
    %add3A_108 = arith.constant 0 : i32
    %add3A_109 = arith.addi %mul3A_35, %add3A_108 : i32
    %dma_wait3A_110 = arith.constant 0 : i32
    %dma_wait3A_111 = arith.constant 0 : i32
    %dma_wait3A_112 = arith.constant 0 : i32
    %dma_wait3A_113 = arith.constant 0 : i32
    %dma_wait3A_114 = tpu.memref_slice %arg6[%dma_wait3A_110, %dma_wait3A_111, %dma_wait3A_112, %dma_wait3A_113] : memref<2x1x32x1024xf32, #tpu.memory_space<vmem>> -> memref<1x1x32x1024xf32, #tpu.memory_space<vmem>>
    %dma_wait3A_115 = tpu.memref_squeeze %dma_wait3A_114 : memref<1x1x32x1024xf32, #tpu.memory_space<vmem>> -> memref<1x32x1024xf32, #tpu.memory_space<vmem>>
    %dma_wait3A_116 = arith.constant 0 : i32
    %dma_wait3A_117 = tpu.memref_slice %arg4[%select_n3A, %add3A_109, %dma_wait3A_116] : memref<8x2048x1024xf32, #tpu.memory_space<hbm>> -> memref<1x32x1024xf32, #tpu.memory_space<hbm>>
    %dma_wait3A_118 = arith.constant 0 : i32
    %dma_wait3A_119 = tpu.memref_slice %arg4[%select_n3A, %add3A_109, %dma_wait3A_118] : memref<8x2048x1024xf32, #tpu.memory_space<hbm>> -> memref<1x32x1024xf32, #tpu.memory_space<hbm>>
    %dma_wait3A_120 = arith.constant 0 : i32
    %dma_wait3A_121 = arith.constant 0 : i32
    %dma_wait3A_122 = arith.constant 0 : i32
    %dma_wait3A_123 = tpu.memref_slice %arg6[%dma_wait3A_110, %dma_wait3A_120, %dma_wait3A_121, %dma_wait3A_122] : memref<2x1x32x1024xf32, #tpu.memory_space<vmem>> -> memref<1x1x32x1024xf32, #tpu.memory_space<vmem>>
    %dma_wait3A_124 = tpu.memref_squeeze %dma_wait3A_123 : memref<1x1x32x1024xf32, #tpu.memory_space<vmem>> -> memref<1x32x1024xf32, #tpu.memory_space<vmem>>
    tpu.wait_dma2 semaphore(%arg8 : memref<!tpu.dma_semaphore, #tpu.memory_space<semaphore_mem>>) src(%dma_wait3A_124 : memref<1x32x1024xf32, #tpu.memory_space<vmem>>) dst(%dma_wait3A_119 : memref<1x32x1024xf32, #tpu.memory_space<hbm>>)
    %add3A_125 = arith.constant 64 : i32
    %add3A_126 = arith.addi %mul3A_35, %add3A_125 : i32
    %dma_start3A_127 = arith.constant 0 : i32
    %dma_start3A_128 = arith.constant 0 : i32
    %dma_start3A_129 = arith.constant 0 : i32
    %dma_start3A_130 = arith.constant 0 : i32
    %dma_start3A_131 = tpu.memref_slice %arg6[%dma_start3A_127, %dma_start3A_128, %dma_start3A_129, %dma_start3A_130] : memref<2x1x32x1024xf32, #tpu.memory_space<vmem>> -> memref<1x1x32x1024xf32, #tpu.memory_space<vmem>>
    %dma_start3A_132 = tpu.memref_squeeze %dma_start3A_131 : memref<1x1x32x1024xf32, #tpu.memory_space<vmem>> -> memref<1x32x1024xf32, #tpu.memory_space<vmem>>
    %dma_start3A_133 = arith.constant 0 : i32
    %dma_start3A_134 = tpu.memref_slice %arg2[%select_n3A, %add3A_126, %dma_start3A_133] : memref<8x1024x1024xf32, #tpu.memory_space<hbm>> -> memref<1x32x1024xf32, #tpu.memory_space<hbm>>
    %dma_start3A_135 = arith.constant 0 : i32
    %dma_start3A_136 = arith.constant 0 : i32
    %dma_start3A_137 = arith.constant 0 : i32
    %dma_start3A_138 = tpu.memref_slice %arg6[%dma_start3A_127, %dma_start3A_135, %dma_start3A_136, %dma_start3A_137] : memref<2x1x32x1024xf32, #tpu.memory_space<vmem>> -> memref<1x1x32x1024xf32, #tpu.memory_space<vmem>>
    %dma_start3A_139 = tpu.memref_squeeze %dma_start3A_138 : memref<1x1x32x1024xf32, #tpu.memory_space<vmem>> -> memref<1x32x1024xf32, #tpu.memory_space<vmem>>
    %dma_start3A_140 = arith.constant 0 : i32
    %dma_start3A_141 = tpu.memref_slice %arg2[%select_n3A, %add3A_126, %dma_start3A_140] : memref<8x1024x1024xf32, #tpu.memory_space<hbm>> -> memref<1x32x1024xf32, #tpu.memory_space<hbm>>
    tpu.enqueue_dma source(%dma_start3A_141 : memref<1x32x1024xf32, #tpu.memory_space<hbm>>) target(%dma_start3A_139 : memref<1x32x1024xf32, #tpu.memory_space<vmem>>) target_semaphore(%arg7 : memref<!tpu.dma_semaphore, #tpu.memory_space<semaphore_mem>>)
    %add3A_142 = arith.constant 32 : i32
    %add3A_143 = arith.addi %mul3A_35, %add3A_142 : i32
    %dma_wait3A_144 = arith.constant 1 : i32
    %dma_wait3A_145 = arith.constant 0 : i32
    %dma_wait3A_146 = arith.constant 0 : i32
    %dma_wait3A_147 = arith.constant 0 : i32
    %dma_wait3A_148 = tpu.memref_slice %arg6[%dma_wait3A_144, %dma_wait3A_145, %dma_wait3A_146, %dma_wait3A_147] : memref<2x1x32x1024xf32, #tpu.memory_space<vmem>> -> memref<1x1x32x1024xf32, #tpu.memory_space<vmem>>
    %dma_wait3A_149 = tpu.memref_squeeze %dma_wait3A_148 : memref<1x1x32x1024xf32, #tpu.memory_space<vmem>> -> memref<1x32x1024xf32, #tpu.memory_space<vmem>>
    %dma_wait3A_150 = arith.constant 0 : i32
    %dma_wait3A_151 = tpu.memref_slice %arg2[%select_n3A, %add3A_143, %dma_wait3A_150] : memref<8x1024x1024xf32, #tpu.memory_space<hbm>> -> memref<1x32x1024xf32, #tpu.memory_space<hbm>>
    %dma_wait3A_152 = arith.constant 0 : i32
    %dma_wait3A_153 = arith.constant 0 : i32
    %dma_wait3A_154 = arith.constant 0 : i32
    %dma_wait3A_155 = tpu.memref_slice %arg6[%dma_wait3A_144, %dma_wait3A_152, %dma_wait3A_153, %dma_wait3A_154] : memref<2x1x32x1024xf32, #tpu.memory_space<vmem>> -> memref<1x1x32x1024xf32, #tpu.memory_space<vmem>>
    %dma_wait3A_156 = tpu.memref_squeeze %dma_wait3A_155 : memref<1x1x32x1024xf32, #tpu.memory_space<vmem>> -> memref<1x32x1024xf32, #tpu.memory_space<vmem>>
    %dma_wait3A_157 = arith.constant 0 : i32
    %dma_wait3A_158 = tpu.memref_slice %arg2[%select_n3A, %add3A_143, %dma_wait3A_157] : memref<8x1024x1024xf32, #tpu.memory_space<hbm>> -> memref<1x32x1024xf32, #tpu.memory_space<hbm>>
    tpu.wait_dma2 semaphore(%arg7 : memref<!tpu.dma_semaphore, #tpu.memory_space<semaphore_mem>>) src(%dma_wait3A_158 : memref<1x32x1024xf32, #tpu.memory_space<hbm>>) dst(%dma_wait3A_156 : memref<1x32x1024xf32, #tpu.memory_space<vmem>>)
    %add3A_159 = arith.constant 32 : i32
    %add3A_160 = arith.addi %mul3A_35, %add3A_159 : i32
    %dma_start3A_161 = arith.constant 1 : i32
    %dma_start3A_162 = arith.constant 0 : i32
    %dma_start3A_163 = arith.constant 0 : i32
    %dma_start3A_164 = arith.constant 0 : i32
    %dma_start3A_165 = tpu.memref_slice %arg6[%dma_start3A_161, %dma_start3A_162, %dma_start3A_163, %dma_start3A_164] : memref<2x1x32x1024xf32, #tpu.memory_space<vmem>> -> memref<1x1x32x1024xf32, #tpu.memory_space<vmem>>
    %dma_start3A_166 = tpu.memref_squeeze %dma_start3A_165 : memref<1x1x32x1024xf32, #tpu.memory_space<vmem>> -> memref<1x32x1024xf32, #tpu.memory_space<vmem>>
    %dma_start3A_167 = arith.constant 0 : i32
    %dma_start3A_168 = tpu.memref_slice %arg4[%select_n3A, %add3A_160, %dma_start3A_167] : memref<8x2048x1024xf32, #tpu.memory_space<hbm>> -> memref<1x32x1024xf32, #tpu.memory_space<hbm>>
    %dma_start3A_169 = arith.constant 0 : i32
    %dma_start3A_170 = tpu.memref_slice %arg4[%select_n3A, %add3A_160, %dma_start3A_169] : memref<8x2048x1024xf32, #tpu.memory_space<hbm>> -> memref<1x32x1024xf32, #tpu.memory_space<hbm>>
    %dma_start3A_171 = arith.constant 0 : i32
    %dma_start3A_172 = arith.constant 0 : i32
    %dma_start3A_173 = arith.constant 0 : i32
    %dma_start3A_174 = tpu.memref_slice %arg6[%dma_start3A_161, %dma_start3A_171, %dma_start3A_172, %dma_start3A_173] : memref<2x1x32x1024xf32, #tpu.memory_space<vmem>> -> memref<1x1x32x1024xf32, #tpu.memory_space<vmem>>
    %dma_start3A_175 = tpu.memref_squeeze %dma_start3A_174 : memref<1x1x32x1024xf32, #tpu.memory_space<vmem>> -> memref<1x32x1024xf32, #tpu.memory_space<vmem>>
    tpu.enqueue_dma source(%dma_start3A_175 : memref<1x32x1024xf32, #tpu.memory_space<vmem>>) target(%dma_start3A_170 : memref<1x32x1024xf32, #tpu.memory_space<hbm>>) target_semaphore(%arg8 : memref<!tpu.dma_semaphore, #tpu.memory_space<semaphore_mem>>)
    %add3A_176 = arith.constant 32 : i32
    %add3A_177 = arith.addi %mul3A_35, %add3A_176 : i32
    %dma_wait3A_178 = arith.constant 1 : i32
    %dma_wait3A_179 = arith.constant 0 : i32
    %dma_wait3A_180 = arith.constant 0 : i32
    %dma_wait3A_181 = arith.constant 0 : i32
    %dma_wait3A_182 = tpu.memref_slice %arg6[%dma_wait3A_178, %dma_wait3A_179, %dma_wait3A_180, %dma_wait3A_181] : memref<2x1x32x1024xf32, #tpu.memory_space<vmem>> -> memref<1x1x32x1024xf32, #tpu.memory_space<vmem>>
    %dma_wait3A_183 = tpu.memref_squeeze %dma_wait3A_182 : memref<1x1x32x1024xf32, #tpu.memory_space<vmem>> -> memref<1x32x1024xf32, #tpu.memory_space<vmem>>
    %dma_wait3A_184 = arith.constant 0 : i32
    %dma_wait3A_185 = tpu.memref_slice %arg4[%select_n3A, %add3A_177, %dma_wait3A_184] : memref<8x2048x1024xf32, #tpu.memory_space<hbm>> -> memref<1x32x1024xf32, #tpu.memory_space<hbm>>
    %dma_wait3A_186 = arith.constant 0 : i32
    %dma_wait3A_187 = tpu.memref_slice %arg4[%select_n3A, %add3A_177, %dma_wait3A_186] : memref<8x2048x1024xf32, #tpu.memory_space<hbm>> -> memref<1x32x1024xf32, #tpu.memory_space<hbm>>
    %dma_wait3A_188 = arith.constant 0 : i32
    %dma_wait3A_189 = arith.constant 0 : i32
    %dma_wait3A_190 = arith.constant 0 : i32
    %dma_wait3A_191 = tpu.memref_slice %arg6[%dma_wait3A_178, %dma_wait3A_188, %dma_wait3A_189, %dma_wait3A_190] : memref<2x1x32x1024xf32, #tpu.memory_space<vmem>> -> memref<1x1x32x1024xf32, #tpu.memory_space<vmem>>
    %dma_wait3A_192 = tpu.memref_squeeze %dma_wait3A_191 : memref<1x1x32x1024xf32, #tpu.memory_space<vmem>> -> memref<1x32x1024xf32, #tpu.memory_space<vmem>>
    tpu.wait_dma2 semaphore(%arg8 : memref<!tpu.dma_semaphore, #tpu.memory_space<semaphore_mem>>) src(%dma_wait3A_192 : memref<1x32x1024xf32, #tpu.memory_space<vmem>>) dst(%dma_wait3A_187 : memref<1x32x1024xf32, #tpu.memory_space<hbm>>)
    %add3A_193 = arith.constant 96 : i32
    %add3A_194 = arith.addi %mul3A_35, %add3A_193 : i32
    %dma_start3A_195 = arith.constant 1 : i32
    %dma_start3A_196 = arith.constant 0 : i32
    %dma_start3A_197 = arith.constant 0 : i32
    %dma_start3A_198 = arith.constant 0 : i32
    %dma_start3A_199 = tpu.memref_slice %arg6[%dma_start3A_195, %dma_start3A_196, %dma_start3A_197, %dma_start3A_198] : memref<2x1x32x1024xf32, #tpu.memory_space<vmem>> -> memref<1x1x32x1024xf32, #tpu.memory_space<vmem>>
    %dma_start3A_200 = tpu.memref_squeeze %dma_start3A_199 : memref<1x1x32x1024xf32, #tpu.memory_space<vmem>> -> memref<1x32x1024xf32, #tpu.memory_space<vmem>>
    %dma_start3A_201 = arith.constant 0 : i32
    %dma_start3A_202 = tpu.memref_slice %arg2[%select_n3A, %add3A_194, %dma_start3A_201] : memref<8x1024x1024xf32, #tpu.memory_space<hbm>> -> memref<1x32x1024xf32, #tpu.memory_space<hbm>>
    %dma_start3A_203 = arith.constant 0 : i32
    %dma_start3A_204 = arith.constant 0 : i32
    %dma_start3A_205 = arith.constant 0 : i32
    %dma_start3A_206 = tpu.memref_slice %arg6[%dma_start3A_195, %dma_start3A_203, %dma_start3A_204, %dma_start3A_205] : memref<2x1x32x1024xf32, #tpu.memory_space<vmem>> -> memref<1x1x32x1024xf32, #tpu.memory_space<vmem>>
    %dma_start3A_207 = tpu.memref_squeeze %dma_start3A_206 : memref<1x1x32x1024xf32, #tpu.memory_space<vmem>> -> memref<1x32x1024xf32, #tpu.memory_space<vmem>>
    %dma_start3A_208 = arith.constant 0 : i32
    %dma_start3A_209 = tpu.memref_slice %arg2[%select_n3A, %add3A_194, %dma_start3A_208] : memref<8x1024x1024xf32, #tpu.memory_space<hbm>> -> memref<1x32x1024xf32, #tpu.memory_space<hbm>>
    tpu.enqueue_dma source(%dma_start3A_209 : memref<1x32x1024xf32, #tpu.memory_space<hbm>>) target(%dma_start3A_207 : memref<1x32x1024xf32, #tpu.memory_space<vmem>>) target_semaphore(%arg7 : memref<!tpu.dma_semaphore, #tpu.memory_space<semaphore_mem>>)
    %add3A_210 = arith.constant 64 : i32
    %add3A_211 = arith.addi %mul3A_35, %add3A_210 : i32
    %dma_wait3A_212 = arith.constant 0 : i32
    %dma_wait3A_213 = arith.constant 0 : i32
    %dma_wait3A_214 = arith.constant 0 : i32
    %dma_wait3A_215 = arith.constant 0 : i32
    %dma_wait3A_216 = tpu.memref_slice %arg6[%dma_wait3A_212, %dma_wait3A_213, %dma_wait3A_214, %dma_wait3A_215] : memref<2x1x32x1024xf32, #tpu.memory_space<vmem>> -> memref<1x1x32x1024xf32, #tpu.memory_space<vmem>>
    %dma_wait3A_217 = tpu.memref_squeeze %dma_wait3A_216 : memref<1x1x32x1024xf32, #tpu.memory_space<vmem>> -> memref<1x32x1024xf32, #tpu.memory_space<vmem>>
    %dma_wait3A_218 = arith.constant 0 : i32
    %dma_wait3A_219 = tpu.memref_slice %arg2[%select_n3A, %add3A_211, %dma_wait3A_218] : memref<8x1024x1024xf32, #tpu.memory_space<hbm>> -> memref<1x32x1024xf32, #tpu.memory_space<hbm>>
    %dma_wait3A_220 = arith.constant 0 : i32
    %dma_wait3A_221 = arith.constant 0 : i32
    %dma_wait3A_222 = arith.constant 0 : i32
    %dma_wait3A_223 = tpu.memref_slice %arg6[%dma_wait3A_212, %dma_wait3A_220, %dma_wait3A_221, %dma_wait3A_222] : memref<2x1x32x1024xf32, #tpu.memory_space<vmem>> -> memref<1x1x32x1024xf32, #tpu.memory_space<vmem>>
    %dma_wait3A_224 = tpu.memref_squeeze %dma_wait3A_223 : memref<1x1x32x1024xf32, #tpu.memory_space<vmem>> -> memref<1x32x1024xf32, #tpu.memory_space<vmem>>
    %dma_wait3A_225 = arith.constant 0 : i32
    %dma_wait3A_226 = tpu.memref_slice %arg2[%select_n3A, %add3A_211, %dma_wait3A_225] : memref<8x1024x1024xf32, #tpu.memory_space<hbm>> -> memref<1x32x1024xf32, #tpu.memory_space<hbm>>
    tpu.wait_dma2 semaphore(%arg7 : memref<!tpu.dma_semaphore, #tpu.memory_space<semaphore_mem>>) src(%dma_wait3A_226 : memref<1x32x1024xf32, #tpu.memory_space<hbm>>) dst(%dma_wait3A_224 : memref<1x32x1024xf32, #tpu.memory_space<vmem>>)
    %add3A_227 = arith.constant 64 : i32
    %add3A_228 = arith.addi %mul3A_35, %add3A_227 : i32
    %dma_start3A_229 = arith.constant 0 : i32
    %dma_start3A_230 = arith.constant 0 : i32
    %dma_start3A_231 = arith.constant 0 : i32
    %dma_start3A_232 = arith.constant 0 : i32
    %dma_start3A_233 = tpu.memref_slice %arg6[%dma_start3A_229, %dma_start3A_230, %dma_start3A_231, %dma_start3A_232] : memref<2x1x32x1024xf32, #tpu.memory_space<vmem>> -> memref<1x1x32x1024xf32, #tpu.memory_space<vmem>>
    %dma_start3A_234 = tpu.memref_squeeze %dma_start3A_233 : memref<1x1x32x1024xf32, #tpu.memory_space<vmem>> -> memref<1x32x1024xf32, #tpu.memory_space<vmem>>
    %dma_start3A_235 = arith.constant 0 : i32
    %dma_start3A_236 = tpu.memref_slice %arg4[%select_n3A, %add3A_228, %dma_start3A_235] : memref<8x2048x1024xf32, #tpu.memory_space<hbm>> -> memref<1x32x1024xf32, #tpu.memory_space<hbm>>
    %dma_start3A_237 = arith.constant 0 : i32
    %dma_start3A_238 = tpu.memref_slice %arg4[%select_n3A, %add3A_228, %dma_start3A_237] : memref<8x2048x1024xf32, #tpu.memory_space<hbm>> -> memref<1x32x1024xf32, #tpu.memory_space<hbm>>
    %dma_start3A_239 = arith.constant 0 : i32
    %dma_start3A_240 = arith.constant 0 : i32
    %dma_start3A_241 = arith.constant 0 : i32
    %dma_start3A_242 = tpu.memref_slice %arg6[%dma_start3A_229, %dma_start3A_239, %dma_start3A_240, %dma_start3A_241] : memref<2x1x32x1024xf32, #tpu.memory_space<vmem>> -> memref<1x1x32x1024xf32, #tpu.memory_space<vmem>>
    %dma_start3A_243 = tpu.memref_squeeze %dma_start3A_242 : memref<1x1x32x1024xf32, #tpu.memory_space<vmem>> -> memref<1x32x1024xf32, #tpu.memory_space<vmem>>
    tpu.enqueue_dma source(%dma_start3A_243 : memref<1x32x1024xf32, #tpu.memory_space<vmem>>) target(%dma_start3A_238 : memref<1x32x1024xf32, #tpu.memory_space<hbm>>) target_semaphore(%arg8 : memref<!tpu.dma_semaphore, #tpu.memory_space<semaphore_mem>>)
    %add3A_244 = arith.constant 64 : i32
    %add3A_245 = arith.addi %mul3A_35, %add3A_244 : i32
    %dma_wait3A_246 = arith.constant 0 : i32
    %dma_wait3A_247 = arith.constant 0 : i32
    %dma_wait3A_248 = arith.constant 0 : i32
    %dma_wait3A_249 = arith.constant 0 : i32
    %dma_wait3A_250 = tpu.memref_slice %arg6[%dma_wait3A_246, %dma_wait3A_247, %dma_wait3A_248, %dma_wait3A_249] : memref<2x1x32x1024xf32, #tpu.memory_space<vmem>> -> memref<1x1x32x1024xf32, #tpu.memory_space<vmem>>
    %dma_wait3A_251 = tpu.memref_squeeze %dma_wait3A_250 : memref<1x1x32x1024xf32, #tpu.memory_space<vmem>> -> memref<1x32x1024xf32, #tpu.memory_space<vmem>>
    %dma_wait3A_252 = arith.constant 0 : i32
    %dma_wait3A_253 = tpu.memref_slice %arg4[%select_n3A, %add3A_245, %dma_wait3A_252] : memref<8x2048x1024xf32, #tpu.memory_space<hbm>> -> memref<1x32x1024xf32, #tpu.memory_space<hbm>>
    %dma_wait3A_254 = arith.constant 0 : i32
    %dma_wait3A_255 = tpu.memref_slice %arg4[%select_n3A, %add3A_245, %dma_wait3A_254] : memref<8x2048x1024xf32, #tpu.memory_space<hbm>> -> memref<1x32x1024xf32, #tpu.memory_space<hbm>>
    %dma_wait3A_256 = arith.constant 0 : i32
    %dma_wait3A_257 = arith.constant 0 : i32
    %dma_wait3A_258 = arith.constant 0 : i32
    %dma_wait3A_259 = tpu.memref_slice %arg6[%dma_wait3A_246, %dma_wait3A_256, %dma_wait3A_257, %dma_wait3A_258] : memref<2x1x32x1024xf32, #tpu.memory_space<vmem>> -> memref<1x1x32x1024xf32, #tpu.memory_space<vmem>>
    %dma_wait3A_260 = tpu.memref_squeeze %dma_wait3A_259 : memref<1x1x32x1024xf32, #tpu.memory_space<vmem>> -> memref<1x32x1024xf32, #tpu.memory_space<vmem>>
    tpu.wait_dma2 semaphore(%arg8 : memref<!tpu.dma_semaphore, #tpu.memory_space<semaphore_mem>>) src(%dma_wait3A_260 : memref<1x32x1024xf32, #tpu.memory_space<vmem>>) dst(%dma_wait3A_255 : memref<1x32x1024xf32, #tpu.memory_space<hbm>>)
    %add3A_261 = arith.constant 128 : i32
    %add3A_262 = arith.addi %mul3A_35, %add3A_261 : i32
    %dma_start3A_263 = arith.constant 0 : i32
    %dma_start3A_264 = arith.constant 0 : i32
    %dma_start3A_265 = arith.constant 0 : i32
    %dma_start3A_266 = arith.constant 0 : i32
    %dma_start3A_267 = tpu.memref_slice %arg6[%dma_start3A_263, %dma_start3A_264, %dma_start3A_265, %dma_start3A_266] : memref<2x1x32x1024xf32, #tpu.memory_space<vmem>> -> memref<1x1x32x1024xf32, #tpu.memory_space<vmem>>
    %dma_start3A_268 = tpu.memref_squeeze %dma_start3A_267 : memref<1x1x32x1024xf32, #tpu.memory_space<vmem>> -> memref<1x32x1024xf32, #tpu.memory_space<vmem>>
    %dma_start3A_269 = arith.constant 0 : i32
    %dma_start3A_270 = tpu.memref_slice %arg2[%select_n3A, %add3A_262, %dma_start3A_269] : memref<8x1024x1024xf32, #tpu.memory_space<hbm>> -> memref<1x32x1024xf32, #tpu.memory_space<hbm>>
    %dma_start3A_271 = arith.constant 0 : i32
    %dma_start3A_272 = arith.constant 0 : i32
    %dma_start3A_273 = arith.constant 0 : i32
    %dma_start3A_274 = tpu.memref_slice %arg6[%dma_start3A_263, %dma_start3A_271, %dma_start3A_272, %dma_start3A_273] : memref<2x1x32x1024xf32, #tpu.memory_space<vmem>> -> memref<1x1x32x1024xf32, #tpu.memory_space<vmem>>
    %dma_start3A_275 = tpu.memref_squeeze %dma_start3A_274 : memref<1x1x32x1024xf32, #tpu.memory_space<vmem>> -> memref<1x32x1024xf32, #tpu.memory_space<vmem>>
    %dma_start3A_276 = arith.constant 0 : i32
    %dma_start3A_277 = tpu.memref_slice %arg2[%select_n3A, %add3A_262, %dma_start3A_276] : memref<8x1024x1024xf32, #tpu.memory_space<hbm>> -> memref<1x32x1024xf32, #tpu.memory_space<hbm>>
    tpu.enqueue_dma source(%dma_start3A_277 : memref<1x32x1024xf32, #tpu.memory_space<hbm>>) target(%dma_start3A_275 : memref<1x32x1024xf32, #tpu.memory_space<vmem>>) target_semaphore(%arg7 : memref<!tpu.dma_semaphore, #tpu.memory_space<semaphore_mem>>)
    %add3A_278 = arith.constant 96 : i32
    %add3A_279 = arith.addi %mul3A_35, %add3A_278 : i32
    %dma_wait3A_280 = arith.constant 1 : i32
    %dma_wait3A_281 = arith.constant 0 : i32
    %dma_wait3A_282 = arith.constant 0 : i32
    %dma_wait3A_283 = arith.constant 0 : i32
    %dma_wait3A_284 = tpu.memref_slice %arg6[%dma_wait3A_280, %dma_wait3A_281, %dma_wait3A_282, %dma_wait3A_283] : memref<2x1x32x1024xf32, #tpu.memory_space<vmem>> -> memref<1x1x32x1024xf32, #tpu.memory_space<vmem>>
    %dma_wait3A_285 = tpu.memref_squeeze %dma_wait3A_284 : memref<1x1x32x1024xf32, #tpu.memory_space<vmem>> -> memref<1x32x1024xf32, #tpu.memory_space<vmem>>
    %dma_wait3A_286 = arith.constant 0 : i32
    %dma_wait3A_287 = tpu.memref_slice %arg2[%select_n3A, %add3A_279, %dma_wait3A_286] : memref<8x1024x1024xf32, #tpu.memory_space<hbm>> -> memref<1x32x1024xf32, #tpu.memory_space<hbm>>
    %dma_wait3A_288 = arith.constant 0 : i32
    %dma_wait3A_289 = arith.constant 0 : i32
    %dma_wait3A_290 = arith.constant 0 : i32
    %dma_wait3A_291 = tpu.memref_slice %arg6[%dma_wait3A_280, %dma_wait3A_288, %dma_wait3A_289, %dma_wait3A_290] : memref<2x1x32x1024xf32, #tpu.memory_space<vmem>> -> memref<1x1x32x1024xf32, #tpu.memory_space<vmem>>
    %dma_wait3A_292 = tpu.memref_squeeze %dma_wait3A_291 : memref<1x1x32x1024xf32, #tpu.memory_space<vmem>> -> memref<1x32x1024xf32, #tpu.memory_space<vmem>>
    %dma_wait3A_293 = arith.constant 0 : i32
    %dma_wait3A_294 = tpu.memref_slice %arg2[%select_n3A, %add3A_279, %dma_wait3A_293] : memref<8x1024x1024xf32, #tpu.memory_space<hbm>> -> memref<1x32x1024xf32, #tpu.memory_space<hbm>>
    tpu.wait_dma2 semaphore(%arg7 : memref<!tpu.dma_semaphore, #tpu.memory_space<semaphore_mem>>) src(%dma_wait3A_294 : memref<1x32x1024xf32, #tpu.memory_space<hbm>>) dst(%dma_wait3A_292 : memref<1x32x1024xf32, #tpu.memory_space<vmem>>)
    %add3A_295 = arith.constant 96 : i32
    %add3A_296 = arith.addi %mul3A_35, %add3A_295 : i32
    %dma_start3A_297 = arith.constant 1 : i32
    %dma_start3A_298 = arith.constant 0 : i32
    %dma_start3A_299 = arith.constant 0 : i32
    %dma_start3A_300 = arith.constant 0 : i32
    %dma_start3A_301 = tpu.memref_slice %arg6[%dma_start3A_297, %dma_start3A_298, %dma_start3A_299, %dma_start3A_300] : memref<2x1x32x1024xf32, #tpu.memory_space<vmem>> -> memref<1x1x32x1024xf32, #tpu.memory_space<vmem>>
    %dma_start3A_302 = tpu.memref_squeeze %dma_start3A_301 : memref<1x1x32x1024xf32, #tpu.memory_space<vmem>> -> memref<1x32x1024xf32, #tpu.memory_space<vmem>>
    %dma_start3A_303 = arith.constant 0 : i32
    %dma_start3A_304 = tpu.memref_slice %arg4[%select_n3A, %add3A_296, %dma_start3A_303] : memref<8x2048x1024xf32, #tpu.memory_space<hbm>> -> memref<1x32x1024xf32, #tpu.memory_space<hbm>>
    %dma_start3A_305 = arith.constant 0 : i32
    %dma_start3A_306 = tpu.memref_slice %arg4[%select_n3A, %add3A_296, %dma_start3A_305] : memref<8x2048x1024xf32, #tpu.memory_space<hbm>> -> memref<1x32x1024xf32, #tpu.memory_space<hbm>>
    %dma_start3A_307 = arith.constant 0 : i32
    %dma_start3A_308 = arith.constant 0 : i32
    %dma_start3A_309 = arith.constant 0 : i32
    %dma_start3A_310 = tpu.memref_slice %arg6[%dma_start3A_297, %dma_start3A_307, %dma_start3A_308, %dma_start3A_309] : memref<2x1x32x1024xf32, #tpu.memory_space<vmem>> -> memref<1x1x32x1024xf32, #tpu.memory_space<vmem>>
    %dma_start3A_311 = tpu.memref_squeeze %dma_start3A_310 : memref<1x1x32x1024xf32, #tpu.memory_space<vmem>> -> memref<1x32x1024xf32, #tpu.memory_space<vmem>>
    tpu.enqueue_dma source(%dma_start3A_311 : memref<1x32x1024xf32, #tpu.memory_space<vmem>>) target(%dma_start3A_306 : memref<1x32x1024xf32, #tpu.memory_space<hbm>>) target_semaphore(%arg8 : memref<!tpu.dma_semaphore, #tpu.memory_space<semaphore_mem>>)
    %add3A_312 = arith.constant 96 : i32
    %add3A_313 = arith.addi %mul3A_35, %add3A_312 : i32
    %dma_wait3A_314 = arith.constant 1 : i32
    %dma_wait3A_315 = arith.constant 0 : i32
    %dma_wait3A_316 = arith.constant 0 : i32
    %dma_wait3A_317 = arith.constant 0 : i32
    %dma_wait3A_318 = tpu.memref_slice %arg6[%dma_wait3A_314, %dma_wait3A_315, %dma_wait3A_316, %dma_wait3A_317] : memref<2x1x32x1024xf32, #tpu.memory_space<vmem>> -> memref<1x1x32x1024xf32, #tpu.memory_space<vmem>>
    %dma_wait3A_319 = tpu.memref_squeeze %dma_wait3A_318 : memref<1x1x32x1024xf32, #tpu.memory_space<vmem>> -> memref<1x32x1024xf32, #tpu.memory_space<vmem>>
    %dma_wait3A_320 = arith.constant 0 : i32
    %dma_wait3A_321 = tpu.memref_slice %arg4[%select_n3A, %add3A_313, %dma_wait3A_320] : memref<8x2048x1024xf32, #tpu.memory_space<hbm>> -> memref<1x32x1024xf32, #tpu.memory_space<hbm>>
    %dma_wait3A_322 = arith.constant 0 : i32
    %dma_wait3A_323 = tpu.memref_slice %arg4[%select_n3A, %add3A_313, %dma_wait3A_322] : memref<8x2048x1024xf32, #tpu.memory_space<hbm>> -> memref<1x32x1024xf32, #tpu.memory_space<hbm>>
    %dma_wait3A_324 = arith.constant 0 : i32
    %dma_wait3A_325 = arith.constant 0 : i32
    %dma_wait3A_326 = arith.constant 0 : i32
    %dma_wait3A_327 = tpu.memref_slice %arg6[%dma_wait3A_314, %dma_wait3A_324, %dma_wait3A_325, %dma_wait3A_326] : memref<2x1x32x1024xf32, #tpu.memory_space<vmem>> -> memref<1x1x32x1024xf32, #tpu.memory_space<vmem>>
    %dma_wait3A_328 = tpu.memref_squeeze %dma_wait3A_327 : memref<1x1x32x1024xf32, #tpu.memory_space<vmem>> -> memref<1x32x1024xf32, #tpu.memory_space<vmem>>
    tpu.wait_dma2 semaphore(%arg8 : memref<!tpu.dma_semaphore, #tpu.memory_space<semaphore_mem>>) src(%dma_wait3A_328 : memref<1x32x1024xf32, #tpu.memory_space<vmem>>) dst(%dma_wait3A_323 : memref<1x32x1024xf32, #tpu.memory_space<hbm>>)
    %add3A_329 = arith.constant 160 : i32
    %add3A_330 = arith.addi %mul3A_35, %add3A_329 : i32
    %dma_start3A_331 = arith.constant 1 : i32
    %dma_start3A_332 = arith.constant 0 : i32
    %dma_start3A_333 = arith.constant 0 : i32
    %dma_start3A_334 = arith.constant 0 : i32
    %dma_start3A_335 = tpu.memref_slice %arg6[%dma_start3A_331, %dma_start3A_332, %dma_start3A_333, %dma_start3A_334] : memref<2x1x32x1024xf32, #tpu.memory_space<vmem>> -> memref<1x1x32x1024xf32, #tpu.memory_space<vmem>>
    %dma_start3A_336 = tpu.memref_squeeze %dma_start3A_335 : memref<1x1x32x1024xf32, #tpu.memory_space<vmem>> -> memref<1x32x1024xf32, #tpu.memory_space<vmem>>
    %dma_start3A_337 = arith.constant 0 : i32
    %dma_start3A_338 = tpu.memref_slice %arg2[%select_n3A, %add3A_330, %dma_start3A_337] : memref<8x1024x1024xf32, #tpu.memory_space<hbm>> -> memref<1x32x1024xf32, #tpu.memory_space<hbm>>
    %dma_start3A_339 = arith.constant 0 : i32
    %dma_start3A_340 = arith.constant 0 : i32
    %dma_start3A_341 = arith.constant 0 : i32
    %dma_start3A_342 = tpu.memref_slice %arg6[%dma_start3A_331, %dma_start3A_339, %dma_start3A_340, %dma_start3A_341] : memref<2x1x32x1024xf32, #tpu.memory_space<vmem>> -> memref<1x1x32x1024xf32, #tpu.memory_space<vmem>>
    %dma_start3A_343 = tpu.memref_squeeze %dma_start3A_342 : memref<1x1x32x1024xf32, #tpu.memory_space<vmem>> -> memref<1x32x1024xf32, #tpu.memory_space<vmem>>
    %dma_start3A_344 = arith.constant 0 : i32
    %dma_start3A_345 = tpu.memref_slice %arg2[%select_n3A, %add3A_330, %dma_start3A_344] : memref<8x1024x1024xf32, #tpu.memory_space<hbm>> -> memref<1x32x1024xf32, #tpu.memory_space<hbm>>
    tpu.enqueue_dma source(%dma_start3A_345 : memref<1x32x1024xf32, #tpu.memory_space<hbm>>) target(%dma_start3A_343 : memref<1x32x1024xf32, #tpu.memory_space<vmem>>) target_semaphore(%arg7 : memref<!tpu.dma_semaphore, #tpu.memory_space<semaphore_mem>>)
    %add3A_346 = arith.constant 128 : i32
    %add3A_347 = arith.addi %mul3A_35, %add3A_346 : i32
    %dma_wait3A_348 = arith.constant 0 : i32
    %dma_wait3A_349 = arith.constant 0 : i32
    %dma_wait3A_350 = arith.constant 0 : i32
    %dma_wait3A_351 = arith.constant 0 : i32
    %dma_wait3A_352 = tpu.memref_slice %arg6[%dma_wait3A_348, %dma_wait3A_349, %dma_wait3A_350, %dma_wait3A_351] : memref<2x1x32x1024xf32, #tpu.memory_space<vmem>> -> memref<1x1x32x1024xf32, #tpu.memory_space<vmem>>
    %dma_wait3A_353 = tpu.memref_squeeze %dma_wait3A_352 : memref<1x1x32x1024xf32, #tpu.memory_space<vmem>> -> memref<1x32x1024xf32, #tpu.memory_space<vmem>>
    %dma_wait3A_354 = arith.constant 0 : i32
    %dma_wait3A_355 = tpu.memref_slice %arg2[%select_n3A, %add3A_347, %dma_wait3A_354] : memref<8x1024x1024xf32, #tpu.memory_space<hbm>> -> memref<1x32x1024xf32, #tpu.memory_space<hbm>>
    %dma_wait3A_356 = arith.constant 0 : i32
    %dma_wait3A_357 = arith.constant 0 : i32
    %dma_wait3A_358 = arith.constant 0 : i32
    %dma_wait3A_359 = tpu.memref_slice %arg6[%dma_wait3A_348, %dma_wait3A_356, %dma_wait3A_357, %dma_wait3A_358] : memref<2x1x32x1024xf32, #tpu.memory_space<vmem>> -> memref<1x1x32x1024xf32, #tpu.memory_space<vmem>>
    %dma_wait3A_360 = tpu.memref_squeeze %dma_wait3A_359 : memref<1x1x32x1024xf32, #tpu.memory_space<vmem>> -> memref<1x32x1024xf32, #tpu.memory_space<vmem>>
    %dma_wait3A_361 = arith.constant 0 : i32
    %dma_wait3A_362 = tpu.memref_slice %arg2[%select_n3A, %add3A_347, %dma_wait3A_361] : memref<8x1024x1024xf32, #tpu.memory_space<hbm>> -> memref<1x32x1024xf32, #tpu.memory_space<hbm>>
    tpu.wait_dma2 semaphore(%arg7 : memref<!tpu.dma_semaphore, #tpu.memory_space<semaphore_mem>>) src(%dma_wait3A_362 : memref<1x32x1024xf32, #tpu.memory_space<hbm>>) dst(%dma_wait3A_360 : memref<1x32x1024xf32, #tpu.memory_space<vmem>>)
    %add3A_363 = arith.constant 128 : i32
    %add3A_364 = arith.addi %mul3A_35, %add3A_363 : i32
    %dma_start3A_365 = arith.constant 0 : i32
    %dma_start3A_366 = arith.constant 0 : i32
    %dma_start3A_367 = arith.constant 0 : i32
    %dma_start3A_368 = arith.constant 0 : i32
    %dma_start3A_369 = tpu.memref_slice %arg6[%dma_start3A_365, %dma_start3A_366, %dma_start3A_367, %dma_start3A_368] : memref<2x1x32x1024xf32, #tpu.memory_space<vmem>> -> memref<1x1x32x1024xf32, #tpu.memory_space<vmem>>
    %dma_start3A_370 = tpu.memref_squeeze %dma_start3A_369 : memref<1x1x32x1024xf32, #tpu.memory_space<vmem>> -> memref<1x32x1024xf32, #tpu.memory_space<vmem>>
    %dma_start3A_371 = arith.constant 0 : i32
    %dma_start3A_372 = tpu.memref_slice %arg4[%select_n3A, %add3A_364, %dma_start3A_371] : memref<8x2048x1024xf32, #tpu.memory_space<hbm>> -> memref<1x32x1024xf32, #tpu.memory_space<hbm>>
    %dma_start3A_373 = arith.constant 0 : i32
    %dma_start3A_374 = tpu.memref_slice %arg4[%select_n3A, %add3A_364, %dma_start3A_373] : memref<8x2048x1024xf32, #tpu.memory_space<hbm>> -> memref<1x32x1024xf32, #tpu.memory_space<hbm>>
    %dma_start3A_375 = arith.constant 0 : i32
    %dma_start3A_376 = arith.constant 0 : i32
    %dma_start3A_377 = arith.constant 0 : i32
    %dma_start3A_378 = tpu.memref_slice %arg6[%dma_start3A_365, %dma_start3A_375, %dma_start3A_376, %dma_start3A_377] : memref<2x1x32x1024xf32, #tpu.memory_space<vmem>> -> memref<1x1x32x1024xf32, #tpu.memory_space<vmem>>
    %dma_start3A_379 = tpu.memref_squeeze %dma_start3A_378 : memref<1x1x32x1024xf32, #tpu.memory_space<vmem>> -> memref<1x32x1024xf32, #tpu.memory_space<vmem>>
    tpu.enqueue_dma source(%dma_start3A_379 : memref<1x32x1024xf32, #tpu.memory_space<vmem>>) target(%dma_start3A_374 : memref<1x32x1024xf32, #tpu.memory_space<hbm>>) target_semaphore(%arg8 : memref<!tpu.dma_semaphore, #tpu.memory_space<semaphore_mem>>)
    %add3A_380 = arith.constant 128 : i32
    %add3A_381 = arith.addi %mul3A_35, %add3A_380 : i32
    %dma_wait3A_382 = arith.constant 0 : i32
    %dma_wait3A_383 = arith.constant 0 : i32
    %dma_wait3A_384 = arith.constant 0 : i32
    %dma_wait3A_385 = arith.constant 0 : i32
    %dma_wait3A_386 = tpu.memref_slice %arg6[%dma_wait3A_382, %dma_wait3A_383, %dma_wait3A_384, %dma_wait3A_385] : memref<2x1x32x1024xf32, #tpu.memory_space<vmem>> -> memref<1x1x32x1024xf32, #tpu.memory_space<vmem>>
    %dma_wait3A_387 = tpu.memref_squeeze %dma_wait3A_386 : memref<1x1x32x1024xf32, #tpu.memory_space<vmem>> -> memref<1x32x1024xf32, #tpu.memory_space<vmem>>
    %dma_wait3A_388 = arith.constant 0 : i32
    %dma_wait3A_389 = tpu.memref_slice %arg4[%select_n3A, %add3A_381, %dma_wait3A_388] : memref<8x2048x1024xf32, #tpu.memory_space<hbm>> -> memref<1x32x1024xf32, #tpu.memory_space<hbm>>
    %dma_wait3A_390 = arith.constant 0 : i32
    %dma_wait3A_391 = tpu.memref_slice %arg4[%select_n3A, %add3A_381, %dma_wait3A_390] : memref<8x2048x1024xf32, #tpu.memory_space<hbm>> -> memref<1x32x1024xf32, #tpu.memory_space<hbm>>
    %dma_wait3A_392 = arith.constant 0 : i32
    %dma_wait3A_393 = arith.constant 0 : i32
    %dma_wait3A_394 = arith.constant 0 : i32
    %dma_wait3A_395 = tpu.memref_slice %arg6[%dma_wait3A_382, %dma_wait3A_392, %dma_wait3A_393, %dma_wait3A_394] : memref<2x1x32x1024xf32, #tpu.memory_space<vmem>> -> memref<1x1x32x1024xf32, #tpu.memory_space<vmem>>
    %dma_wait3A_396 = tpu.memref_squeeze %dma_wait3A_395 : memref<1x1x32x1024xf32, #tpu.memory_space<vmem>> -> memref<1x32x1024xf32, #tpu.memory_space<vmem>>
    tpu.wait_dma2 semaphore(%arg8 : memref<!tpu.dma_semaphore, #tpu.memory_space<semaphore_mem>>) src(%dma_wait3A_396 : memref<1x32x1024xf32, #tpu.memory_space<vmem>>) dst(%dma_wait3A_391 : memref<1x32x1024xf32, #tpu.memory_space<hbm>>)
    %add3A_397 = arith.constant 192 : i32
    %add3A_398 = arith.addi %mul3A_35, %add3A_397 : i32
    %dma_start3A_399 = arith.constant 0 : i32
    %dma_start3A_400 = arith.constant 0 : i32
    %dma_start3A_401 = arith.constant 0 : i32
    %dma_start3A_402 = arith.constant 0 : i32
    %dma_start3A_403 = tpu.memref_slice %arg6[%dma_start3A_399, %dma_start3A_400, %dma_start3A_401, %dma_start3A_402] : memref<2x1x32x1024xf32, #tpu.memory_space<vmem>> -> memref<1x1x32x1024xf32, #tpu.memory_space<vmem>>
    %dma_start3A_404 = tpu.memref_squeeze %dma_start3A_403 : memref<1x1x32x1024xf32, #tpu.memory_space<vmem>> -> memref<1x32x1024xf32, #tpu.memory_space<vmem>>
    %dma_start3A_405 = arith.constant 0 : i32
    %dma_start3A_406 = tpu.memref_slice %arg2[%select_n3A, %add3A_398, %dma_start3A_405] : memref<8x1024x1024xf32, #tpu.memory_space<hbm>> -> memref<1x32x1024xf32, #tpu.memory_space<hbm>>
    %dma_start3A_407 = arith.constant 0 : i32
    %dma_start3A_408 = arith.constant 0 : i32
    %dma_start3A_409 = arith.constant 0 : i32
    %dma_start3A_410 = tpu.memref_slice %arg6[%dma_start3A_399, %dma_start3A_407, %dma_start3A_408, %dma_start3A_409] : memref<2x1x32x1024xf32, #tpu.memory_space<vmem>> -> memref<1x1x32x1024xf32, #tpu.memory_space<vmem>>
    %dma_start3A_411 = tpu.memref_squeeze %dma_start3A_410 : memref<1x1x32x1024xf32, #tpu.memory_space<vmem>> -> memref<1x32x1024xf32, #tpu.memory_space<vmem>>
    %dma_start3A_412 = arith.constant 0 : i32
    %dma_start3A_413 = tpu.memref_slice %arg2[%select_n3A, %add3A_398, %dma_start3A_412] : memref<8x1024x1024xf32, #tpu.memory_space<hbm>> -> memref<1x32x1024xf32, #tpu.memory_space<hbm>>
    tpu.enqueue_dma source(%dma_start3A_413 : memref<1x32x1024xf32, #tpu.memory_space<hbm>>) target(%dma_start3A_411 : memref<1x32x1024xf32, #tpu.memory_space<vmem>>) target_semaphore(%arg7 : memref<!tpu.dma_semaphore, #tpu.memory_space<semaphore_mem>>)
    %add3A_414 = arith.constant 160 : i32
    %add3A_415 = arith.addi %mul3A_35, %add3A_414 : i32
    %dma_wait3A_416 = arith.constant 1 : i32
    %dma_wait3A_417 = arith.constant 0 : i32
    %dma_wait3A_418 = arith.constant 0 : i32
    %dma_wait3A_419 = arith.constant 0 : i32
    %dma_wait3A_420 = tpu.memref_slice %arg6[%dma_wait3A_416, %dma_wait3A_417, %dma_wait3A_418, %dma_wait3A_419] : memref<2x1x32x1024xf32, #tpu.memory_space<vmem>> -> memref<1x1x32x1024xf32, #tpu.memory_space<vmem>>
    %dma_wait3A_421 = tpu.memref_squeeze %dma_wait3A_420 : memref<1x1x32x1024xf32, #tpu.memory_space<vmem>> -> memref<1x32x1024xf32, #tpu.memory_space<vmem>>
    %dma_wait3A_422 = arith.constant 0 : i32
    %dma_wait3A_423 = tpu.memref_slice %arg2[%select_n3A, %add3A_415, %dma_wait3A_422] : memref<8x1024x1024xf32, #tpu.memory_space<hbm>> -> memref<1x32x1024xf32, #tpu.memory_space<hbm>>
    %dma_wait3A_424 = arith.constant 0 : i32
    %dma_wait3A_425 = arith.constant 0 : i32
    %dma_wait3A_426 = arith.constant 0 : i32
    %dma_wait3A_427 = tpu.memref_slice %arg6[%dma_wait3A_416, %dma_wait3A_424, %dma_wait3A_425, %dma_wait3A_426] : memref<2x1x32x1024xf32, #tpu.memory_space<vmem>> -> memref<1x1x32x1024xf32, #tpu.memory_space<vmem>>
    %dma_wait3A_428 = tpu.memref_squeeze %dma_wait3A_427 : memref<1x1x32x1024xf32, #tpu.memory_space<vmem>> -> memref<1x32x1024xf32, #tpu.memory_space<vmem>>
    %dma_wait3A_429 = arith.constant 0 : i32
    %dma_wait3A_430 = tpu.memref_slice %arg2[%select_n3A, %add3A_415, %dma_wait3A_429] : memref<8x1024x1024xf32, #tpu.memory_space<hbm>> -> memref<1x32x1024xf32, #tpu.memory_space<hbm>>
    tpu.wait_dma2 semaphore(%arg7 : memref<!tpu.dma_semaphore, #tpu.memory_space<semaphore_mem>>) src(%dma_wait3A_430 : memref<1x32x1024xf32, #tpu.memory_space<hbm>>) dst(%dma_wait3A_428 : memref<1x32x1024xf32, #tpu.memory_space<vmem>>)
    %add3A_431 = arith.constant 160 : i32
    %add3A_432 = arith.addi %mul3A_35, %add3A_431 : i32
    %dma_start3A_433 = arith.constant 1 : i32
    %dma_start3A_434 = arith.constant 0 : i32
    %dma_start3A_435 = arith.constant 0 : i32
    %dma_start3A_436 = arith.constant 0 : i32
    %dma_start3A_437 = tpu.memref_slice %arg6[%dma_start3A_433, %dma_start3A_434, %dma_start3A_435, %dma_start3A_436] : memref<2x1x32x1024xf32, #tpu.memory_space<vmem>> -> memref<1x1x32x1024xf32, #tpu.memory_space<vmem>>
    %dma_start3A_438 = tpu.memref_squeeze %dma_start3A_437 : memref<1x1x32x1024xf32, #tpu.memory_space<vmem>> -> memref<1x32x1024xf32, #tpu.memory_space<vmem>>
    %dma_start3A_439 = arith.constant 0 : i32
    %dma_start3A_440 = tpu.memref_slice %arg4[%select_n3A, %add3A_432, %dma_start3A_439] : memref<8x2048x1024xf32, #tpu.memory_space<hbm>> -> memref<1x32x1024xf32, #tpu.memory_space<hbm>>
    %dma_start3A_441 = arith.constant 0 : i32
    %dma_start3A_442 = tpu.memref_slice %arg4[%select_n3A, %add3A_432, %dma_start3A_441] : memref<8x2048x1024xf32, #tpu.memory_space<hbm>> -> memref<1x32x1024xf32, #tpu.memory_space<hbm>>
    %dma_start3A_443 = arith.constant 0 : i32
    %dma_start3A_444 = arith.constant 0 : i32
    %dma_start3A_445 = arith.constant 0 : i32
    %dma_start3A_446 = tpu.memref_slice %arg6[%dma_start3A_433, %dma_start3A_443, %dma_start3A_444, %dma_start3A_445] : memref<2x1x32x1024xf32, #tpu.memory_space<vmem>> -> memref<1x1x32x1024xf32, #tpu.memory_space<vmem>>
    %dma_start3A_447 = tpu.memref_squeeze %dma_start3A_446 : memref<1x1x32x1024xf32, #tpu.memory_space<vmem>> -> memref<1x32x1024xf32, #tpu.memory_space<vmem>>
    tpu.enqueue_dma source(%dma_start3A_447 : memref<1x32x1024xf32, #tpu.memory_space<vmem>>) target(%dma_start3A_442 : memref<1x32x1024xf32, #tpu.memory_space<hbm>>) target_semaphore(%arg8 : memref<!tpu.dma_semaphore, #tpu.memory_space<semaphore_mem>>)
    %add3A_448 = arith.constant 160 : i32
    %add3A_449 = arith.addi %mul3A_35, %add3A_448 : i32
    %dma_wait3A_450 = arith.constant 1 : i32
    %dma_wait3A_451 = arith.constant 0 : i32
    %dma_wait3A_452 = arith.constant 0 : i32
    %dma_wait3A_453 = arith.constant 0 : i32
    %dma_wait3A_454 = tpu.memref_slice %arg6[%dma_wait3A_450, %dma_wait3A_451, %dma_wait3A_452, %dma_wait3A_453] : memref<2x1x32x1024xf32, #tpu.memory_space<vmem>> -> memref<1x1x32x1024xf32, #tpu.memory_space<vmem>>
    %dma_wait3A_455 = tpu.memref_squeeze %dma_wait3A_454 : memref<1x1x32x1024xf32, #tpu.memory_space<vmem>> -> memref<1x32x1024xf32, #tpu.memory_space<vmem>>
    %dma_wait3A_456 = arith.constant 0 : i32
    %dma_wait3A_457 = tpu.memref_slice %arg4[%select_n3A, %add3A_449, %dma_wait3A_456] : memref<8x2048x1024xf32, #tpu.memory_space<hbm>> -> memref<1x32x1024xf32, #tpu.memory_space<hbm>>
    %dma_wait3A_458 = arith.constant 0 : i32
    %dma_wait3A_459 = tpu.memref_slice %arg4[%select_n3A, %add3A_449, %dma_wait3A_458] : memref<8x2048x1024xf32, #tpu.memory_space<hbm>> -> memref<1x32x1024xf32, #tpu.memory_space<hbm>>
    %dma_wait3A_460 = arith.constant 0 : i32
    %dma_wait3A_461 = arith.constant 0 : i32
    %dma_wait3A_462 = arith.constant 0 : i32
    %dma_wait3A_463 = tpu.memref_slice %arg6[%dma_wait3A_450, %dma_wait3A_460, %dma_wait3A_461, %dma_wait3A_462] : memref<2x1x32x1024xf32, #tpu.memory_space<vmem>> -> memref<1x1x32x1024xf32, #tpu.memory_space<vmem>>
    %dma_wait3A_464 = tpu.memref_squeeze %dma_wait3A_463 : memref<1x1x32x1024xf32, #tpu.memory_space<vmem>> -> memref<1x32x1024xf32, #tpu.memory_space<vmem>>
    tpu.wait_dma2 semaphore(%arg8 : memref<!tpu.dma_semaphore, #tpu.memory_space<semaphore_mem>>) src(%dma_wait3A_464 : memref<1x32x1024xf32, #tpu.memory_space<vmem>>) dst(%dma_wait3A_459 : memref<1x32x1024xf32, #tpu.memory_space<hbm>>)
    %add3A_465 = arith.constant 224 : i32
    %add3A_466 = arith.addi %mul3A_35, %add3A_465 : i32
    %dma_start3A_467 = arith.constant 1 : i32
    %dma_start3A_468 = arith.constant 0 : i32
    %dma_start3A_469 = arith.constant 0 : i32
    %dma_start3A_470 = arith.constant 0 : i32
    %dma_start3A_471 = tpu.memref_slice %arg6[%dma_start3A_467, %dma_start3A_468, %dma_start3A_469, %dma_start3A_470] : memref<2x1x32x1024xf32, #tpu.memory_space<vmem>> -> memref<1x1x32x1024xf32, #tpu.memory_space<vmem>>
    %dma_start3A_472 = tpu.memref_squeeze %dma_start3A_471 : memref<1x1x32x1024xf32, #tpu.memory_space<vmem>> -> memref<1x32x1024xf32, #tpu.memory_space<vmem>>
    %dma_start3A_473 = arith.constant 0 : i32
    %dma_start3A_474 = tpu.memref_slice %arg2[%select_n3A, %add3A_466, %dma_start3A_473] : memref<8x1024x1024xf32, #tpu.memory_space<hbm>> -> memref<1x32x1024xf32, #tpu.memory_space<hbm>>
    %dma_start3A_475 = arith.constant 0 : i32
    %dma_start3A_476 = arith.constant 0 : i32
    %dma_start3A_477 = arith.constant 0 : i32
    %dma_start3A_478 = tpu.memref_slice %arg6[%dma_start3A_467, %dma_start3A_475, %dma_start3A_476, %dma_start3A_477] : memref<2x1x32x1024xf32, #tpu.memory_space<vmem>> -> memref<1x1x32x1024xf32, #tpu.memory_space<vmem>>
    %dma_start3A_479 = tpu.memref_squeeze %dma_start3A_478 : memref<1x1x32x1024xf32, #tpu.memory_space<vmem>> -> memref<1x32x1024xf32, #tpu.memory_space<vmem>>
    %dma_start3A_480 = arith.constant 0 : i32
    %dma_start3A_481 = tpu.memref_slice %arg2[%select_n3A, %add3A_466, %dma_start3A_480] : memref<8x1024x1024xf32, #tpu.memory_space<hbm>> -> memref<1x32x1024xf32, #tpu.memory_space<hbm>>
    tpu.enqueue_dma source(%dma_start3A_481 : memref<1x32x1024xf32, #tpu.memory_space<hbm>>) target(%dma_start3A_479 : memref<1x32x1024xf32, #tpu.memory_space<vmem>>) target_semaphore(%arg7 : memref<!tpu.dma_semaphore, #tpu.memory_space<semaphore_mem>>)
    %add3A_482 = arith.constant 192 : i32
    %add3A_483 = arith.addi %mul3A_35, %add3A_482 : i32
    %dma_wait3A_484 = arith.constant 0 : i32
    %dma_wait3A_485 = arith.constant 0 : i32
    %dma_wait3A_486 = arith.constant 0 : i32
    %dma_wait3A_487 = arith.constant 0 : i32
    %dma_wait3A_488 = tpu.memref_slice %arg6[%dma_wait3A_484, %dma_wait3A_485, %dma_wait3A_486, %dma_wait3A_487] : memref<2x1x32x1024xf32, #tpu.memory_space<vmem>> -> memref<1x1x32x1024xf32, #tpu.memory_space<vmem>>
    %dma_wait3A_489 = tpu.memref_squeeze %dma_wait3A_488 : memref<1x1x32x1024xf32, #tpu.memory_space<vmem>> -> memref<1x32x1024xf32, #tpu.memory_space<vmem>>
    %dma_wait3A_490 = arith.constant 0 : i32
    %dma_wait3A_491 = tpu.memref_slice %arg2[%select_n3A, %add3A_483, %dma_wait3A_490] : memref<8x1024x1024xf32, #tpu.memory_space<hbm>> -> memref<1x32x1024xf32, #tpu.memory_space<hbm>>
    %dma_wait3A_492 = arith.constant 0 : i32
    %dma_wait3A_493 = arith.constant 0 : i32
    %dma_wait3A_494 = arith.constant 0 : i32
    %dma_wait3A_495 = tpu.memref_slice %arg6[%dma_wait3A_484, %dma_wait3A_492, %dma_wait3A_493, %dma_wait3A_494] : memref<2x1x32x1024xf32, #tpu.memory_space<vmem>> -> memref<1x1x32x1024xf32, #tpu.memory_space<vmem>>
    %dma_wait3A_496 = tpu.memref_squeeze %dma_wait3A_495 : memref<1x1x32x1024xf32, #tpu.memory_space<vmem>> -> memref<1x32x1024xf32, #tpu.memory_space<vmem>>
    %dma_wait3A_497 = arith.constant 0 : i32
    %dma_wait3A_498 = tpu.memref_slice %arg2[%select_n3A, %add3A_483, %dma_wait3A_497] : memref<8x1024x1024xf32, #tpu.memory_space<hbm>> -> memref<1x32x1024xf32, #tpu.memory_space<hbm>>
    tpu.wait_dma2 semaphore(%arg7 : memref<!tpu.dma_semaphore, #tpu.memory_space<semaphore_mem>>) src(%dma_wait3A_498 : memref<1x32x1024xf32, #tpu.memory_space<hbm>>) dst(%dma_wait3A_496 : memref<1x32x1024xf32, #tpu.memory_space<vmem>>)
    %add3A_499 = arith.constant 192 : i32
    %add3A_500 = arith.addi %mul3A_35, %add3A_499 : i32
    %dma_start3A_501 = arith.constant 0 : i32
    %dma_start3A_502 = arith.constant 0 : i32
    %dma_start3A_503 = arith.constant 0 : i32
    %dma_start3A_504 = arith.constant 0 : i32
    %dma_start3A_505 = tpu.memref_slice %arg6[%dma_start3A_501, %dma_start3A_502, %dma_start3A_503, %dma_start3A_504] : memref<2x1x32x1024xf32, #tpu.memory_space<vmem>> -> memref<1x1x32x1024xf32, #tpu.memory_space<vmem>>
    %dma_start3A_506 = tpu.memref_squeeze %dma_start3A_505 : memref<1x1x32x1024xf32, #tpu.memory_space<vmem>> -> memref<1x32x1024xf32, #tpu.memory_space<vmem>>
    %dma_start3A_507 = arith.constant 0 : i32
    %dma_start3A_508 = tpu.memref_slice %arg4[%select_n3A, %add3A_500, %dma_start3A_507] : memref<8x2048x1024xf32, #tpu.memory_space<hbm>> -> memref<1x32x1024xf32, #tpu.memory_space<hbm>>
    %dma_start3A_509 = arith.constant 0 : i32
    %dma_start3A_510 = tpu.memref_slice %arg4[%select_n3A, %add3A_500, %dma_start3A_509] : memref<8x2048x1024xf32, #tpu.memory_space<hbm>> -> memref<1x32x1024xf32, #tpu.memory_space<hbm>>
    %dma_start3A_511 = arith.constant 0 : i32
    %dma_start3A_512 = arith.constant 0 : i32
    %dma_start3A_513 = arith.constant 0 : i32
    %dma_start3A_514 = tpu.memref_slice %arg6[%dma_start3A_501, %dma_start3A_511, %dma_start3A_512, %dma_start3A_513] : memref<2x1x32x1024xf32, #tpu.memory_space<vmem>> -> memref<1x1x32x1024xf32, #tpu.memory_space<vmem>>
    %dma_start3A_515 = tpu.memref_squeeze %dma_start3A_514 : memref<1x1x32x1024xf32, #tpu.memory_space<vmem>> -> memref<1x32x1024xf32, #tpu.memory_space<vmem>>
    tpu.enqueue_dma source(%dma_start3A_515 : memref<1x32x1024xf32, #tpu.memory_space<vmem>>) target(%dma_start3A_510 : memref<1x32x1024xf32, #tpu.memory_space<hbm>>) target_semaphore(%arg8 : memref<!tpu.dma_semaphore, #tpu.memory_space<semaphore_mem>>)
    %add3A_516 = arith.constant 224 : i32
    %add3A_517 = arith.addi %mul3A_35, %add3A_516 : i32
    %dma_wait3A_518 = arith.constant 1 : i32
    %dma_wait3A_519 = arith.constant 0 : i32
    %dma_wait3A_520 = arith.constant 0 : i32
    %dma_wait3A_521 = arith.constant 0 : i32
    %dma_wait3A_522 = tpu.memref_slice %arg6[%dma_wait3A_518, %dma_wait3A_519, %dma_wait3A_520, %dma_wait3A_521] : memref<2x1x32x1024xf32, #tpu.memory_space<vmem>> -> memref<1x1x32x1024xf32, #tpu.memory_space<vmem>>
    %dma_wait3A_523 = tpu.memref_squeeze %dma_wait3A_522 : memref<1x1x32x1024xf32, #tpu.memory_space<vmem>> -> memref<1x32x1024xf32, #tpu.memory_space<vmem>>
    %dma_wait3A_524 = arith.constant 0 : i32
    %dma_wait3A_525 = tpu.memref_slice %arg2[%select_n3A, %add3A_517, %dma_wait3A_524] : memref<8x1024x1024xf32, #tpu.memory_space<hbm>> -> memref<1x32x1024xf32, #tpu.memory_space<hbm>>
    %dma_wait3A_526 = arith.constant 0 : i32
    %dma_wait3A_527 = arith.constant 0 : i32
    %dma_wait3A_528 = arith.constant 0 : i32
    %dma_wait3A_529 = tpu.memref_slice %arg6[%dma_wait3A_518, %dma_wait3A_526, %dma_wait3A_527, %dma_wait3A_528] : memref<2x1x32x1024xf32, #tpu.memory_space<vmem>> -> memref<1x1x32x1024xf32, #tpu.memory_space<vmem>>
    %dma_wait3A_530 = tpu.memref_squeeze %dma_wait3A_529 : memref<1x1x32x1024xf32, #tpu.memory_space<vmem>> -> memref<1x32x1024xf32, #tpu.memory_space<vmem>>
    %dma_wait3A_531 = arith.constant 0 : i32
    %dma_wait3A_532 = tpu.memref_slice %arg2[%select_n3A, %add3A_517, %dma_wait3A_531] : memref<8x1024x1024xf32, #tpu.memory_space<hbm>> -> memref<1x32x1024xf32, #tpu.memory_space<hbm>>
    tpu.wait_dma2 semaphore(%arg7 : memref<!tpu.dma_semaphore, #tpu.memory_space<semaphore_mem>>) src(%dma_wait3A_532 : memref<1x32x1024xf32, #tpu.memory_space<hbm>>) dst(%dma_wait3A_530 : memref<1x32x1024xf32, #tpu.memory_space<vmem>>)
    %add3A_533 = arith.constant 224 : i32
    %add3A_534 = arith.addi %mul3A_35, %add3A_533 : i32
    %dma_start3A_535 = arith.constant 1 : i32
    %dma_start3A_536 = arith.constant 0 : i32
    %dma_start3A_537 = arith.constant 0 : i32
    %dma_start3A_538 = arith.constant 0 : i32
    %dma_start3A_539 = tpu.memref_slice %arg6[%dma_start3A_535, %dma_start3A_536, %dma_start3A_537, %dma_start3A_538] : memref<2x1x32x1024xf32, #tpu.memory_space<vmem>> -> memref<1x1x32x1024xf32, #tpu.memory_space<vmem>>
    %dma_start3A_540 = tpu.memref_squeeze %dma_start3A_539 : memref<1x1x32x1024xf32, #tpu.memory_space<vmem>> -> memref<1x32x1024xf32, #tpu.memory_space<vmem>>
    %dma_start3A_541 = arith.constant 0 : i32
    %dma_start3A_542 = tpu.memref_slice %arg4[%select_n3A, %add3A_534, %dma_start3A_541] : memref<8x2048x1024xf32, #tpu.memory_space<hbm>> -> memref<1x32x1024xf32, #tpu.memory_space<hbm>>
    %dma_start3A_543 = arith.constant 0 : i32
    %dma_start3A_544 = tpu.memref_slice %arg4[%select_n3A, %add3A_534, %dma_start3A_543] : memref<8x2048x1024xf32, #tpu.memory_space<hbm>> -> memref<1x32x1024xf32, #tpu.memory_space<hbm>>
    %dma_start3A_545 = arith.constant 0 : i32
    %dma_start3A_546 = arith.constant 0 : i32
    %dma_start3A_547 = arith.constant 0 : i32
    %dma_start3A_548 = tpu.memref_slice %arg6[%dma_start3A_535, %dma_start3A_545, %dma_start3A_546, %dma_start3A_547] : memref<2x1x32x1024xf32, #tpu.memory_space<vmem>> -> memref<1x1x32x1024xf32, #tpu.memory_space<vmem>>
    %dma_start3A_549 = tpu.memref_squeeze %dma_start3A_548 : memref<1x1x32x1024xf32, #tpu.memory_space<vmem>> -> memref<1x32x1024xf32, #tpu.memory_space<vmem>>
    tpu.enqueue_dma source(%dma_start3A_549 : memref<1x32x1024xf32, #tpu.memory_space<vmem>>) target(%dma_start3A_544 : memref<1x32x1024xf32, #tpu.memory_space<hbm>>) target_semaphore(%arg8 : memref<!tpu.dma_semaphore, #tpu.memory_space<semaphore_mem>>)
    %add3A_550 = arith.constant 192 : i32
    %add3A_551 = arith.addi %mul3A_35, %add3A_550 : i32
    %dma_wait3A_552 = arith.constant 0 : i32
    %dma_wait3A_553 = arith.constant 0 : i32
    %dma_wait3A_554 = arith.constant 0 : i32
    %dma_wait3A_555 = arith.constant 0 : i32
    %dma_wait3A_556 = tpu.memref_slice %arg6[%dma_wait3A_552, %dma_wait3A_553, %dma_wait3A_554, %dma_wait3A_555] : memref<2x1x32x1024xf32, #tpu.memory_space<vmem>> -> memref<1x1x32x1024xf32, #tpu.memory_space<vmem>>
    %dma_wait3A_557 = tpu.memref_squeeze %dma_wait3A_556 : memref<1x1x32x1024xf32, #tpu.memory_space<vmem>> -> memref<1x32x1024xf32, #tpu.memory_space<vmem>>
    %dma_wait3A_558 = arith.constant 0 : i32
    %dma_wait3A_559 = tpu.memref_slice %arg4[%select_n3A, %add3A_551, %dma_wait3A_558] : memref<8x2048x1024xf32, #tpu.memory_space<hbm>> -> memref<1x32x1024xf32, #tpu.memory_space<hbm>>
    %dma_wait3A_560 = arith.constant 0 : i32
    %dma_wait3A_561 = tpu.memref_slice %arg4[%select_n3A, %add3A_551, %dma_wait3A_560] : memref<8x2048x1024xf32, #tpu.memory_space<hbm>> -> memref<1x32x1024xf32, #tpu.memory_space<hbm>>
    %dma_wait3A_562 = arith.constant 0 : i32
    %dma_wait3A_563 = arith.constant 0 : i32
    %dma_wait3A_564 = arith.constant 0 : i32
    %dma_wait3A_565 = tpu.memref_slice %arg6[%dma_wait3A_552, %dma_wait3A_562, %dma_wait3A_563, %dma_wait3A_564] : memref<2x1x32x1024xf32, #tpu.memory_space<vmem>> -> memref<1x1x32x1024xf32, #tpu.memory_space<vmem>>
    %dma_wait3A_566 = tpu.memref_squeeze %dma_wait3A_565 : memref<1x1x32x1024xf32, #tpu.memory_space<vmem>> -> memref<1x32x1024xf32, #tpu.memory_space<vmem>>
    tpu.wait_dma2 semaphore(%arg8 : memref<!tpu.dma_semaphore, #tpu.memory_space<semaphore_mem>>) src(%dma_wait3A_566 : memref<1x32x1024xf32, #tpu.memory_space<vmem>>) dst(%dma_wait3A_561 : memref<1x32x1024xf32, #tpu.memory_space<hbm>>)
    %add3A_567 = arith.constant 224 : i32
    %add3A_568 = arith.addi %mul3A_35, %add3A_567 : i32
    %dma_wait3A_569 = arith.constant 1 : i32
    %dma_wait3A_570 = arith.constant 0 : i32
    %dma_wait3A_571 = arith.constant 0 : i32
    %dma_wait3A_572 = arith.constant 0 : i32
    %dma_wait3A_573 = tpu.memref_slice %arg6[%dma_wait3A_569, %dma_wait3A_570, %dma_wait3A_571, %dma_wait3A_572] : memref<2x1x32x1024xf32, #tpu.memory_space<vmem>> -> memref<1x1x32x1024xf32, #tpu.memory_space<vmem>>
    %dma_wait3A_574 = tpu.memref_squeeze %dma_wait3A_573 : memref<1x1x32x1024xf32, #tpu.memory_space<vmem>> -> memref<1x32x1024xf32, #tpu.memory_space<vmem>>
    %dma_wait3A_575 = arith.constant 0 : i32
    %dma_wait3A_576 = tpu.memref_slice %arg4[%select_n3A, %add3A_568, %dma_wait3A_575] : memref<8x2048x1024xf32, #tpu.memory_space<hbm>> -> memref<1x32x1024xf32, #tpu.memory_space<hbm>>
    %dma_wait3A_577 = arith.constant 0 : i32
    %dma_wait3A_578 = tpu.memref_slice %arg4[%select_n3A, %add3A_568, %dma_wait3A_577] : memref<8x2048x1024xf32, #tpu.memory_space<hbm>> -> memref<1x32x1024xf32, #tpu.memory_space<hbm>>
    %dma_wait3A_579 = arith.constant 0 : i32
    %dma_wait3A_580 = arith.constant 0 : i32
    %dma_wait3A_581 = arith.constant 0 : i32
    %dma_wait3A_582 = tpu.memref_slice %arg6[%dma_wait3A_569, %dma_wait3A_579, %dma_wait3A_580, %dma_wait3A_581] : memref<2x1x32x1024xf32, #tpu.memory_space<vmem>> -> memref<1x1x32x1024xf32, #tpu.memory_space<vmem>>
    %dma_wait3A_583 = tpu.memref_squeeze %dma_wait3A_582 : memref<1x1x32x1024xf32, #tpu.memory_space<vmem>> -> memref<1x32x1024xf32, #tpu.memory_space<vmem>>
    tpu.wait_dma2 semaphore(%arg8 : memref<!tpu.dma_semaphore, #tpu.memory_space<semaphore_mem>>) src(%dma_wait3A_583 : memref<1x32x1024xf32, #tpu.memory_space<vmem>>) dst(%dma_wait3A_578 : memref<1x32x1024xf32, #tpu.memory_space<hbm>>)
    %dma_wait3A_584 = arith.constant 0 : i32
    %dma_wait3A_585 = tpu.memref_slice %arg4[%select_n3A, %add3A_39, %dma_wait3A_584] : memref<8x2048x1024xf32, #tpu.memory_space<hbm>> -> memref<1x256x1024xf32, #tpu.memory_space<hbm>>
    tpu.wait_dma2 semaphore(%arg9 : memref<!tpu.dma_semaphore, #tpu.memory_space<semaphore_mem>>) src(%arg5 : memref<1x256x1024xf32, #tpu.memory_space<vmem_shared>>) dst(%dma_wait3A_585 : memref<1x256x1024xf32, #tpu.memory_space<hbm>>)
    return
  }
}

</mosaic_0001>

<sc_bundles>
// kernel: kernel.3.cloned.1.call-start
scs
__scs_entry_jumppad:
0x0: {  	(pc) =	sbr.rel $0x88, $3  }
0x1: {  	(tag) =	ssettag $0x0;
	lr =	simm.s32 $0x1  }
0x2: {  	[smem:$0x3FA0] =	sst lr;
	_ =	strace $0xD0000000  }
0x3: {  	_ = 	snop  }
0x4: {  	_ = 	snop  }
0x5: {  	_ = 	snop  }
0x6: {  	_ = 	snop  }
0x7: {  	_ = 	snop  }
__scs_overlays_trampoline_lowered:
0x8: {  	[smem:$0x3FAF] =	sst s0  }
0x9: {  	[smem:$0x3FB0] =	sst s1  }
0xa: {  	[smem:$0x3FB1] =	sst s2  }
0xb: {  	[smem:$0x3FB2] =	sst s3  }
0xc: {  	[smem:$0x3FB3] =	sst s4  }
0xd: {  	[smem:$0x3FB4] =	sst s5  }
0xe: {  	[smem:$0x3FB5] =	sst s6  }
0xf: {  	[smem:$0x3FB6] =	sst s7  }
0x10: {  	[smem:$0x3FB7] =	sst s8  }
0x11: {  	[smem:$0x3FB8] =	sst s9;
	s0 =	simm.s32 @!p0 $0x0  }
0x12: {  	s1 =	sld [smem:$0x3F9E];
	s0 =	simm.s32 @p0 $0x1  }
0x13: {  	[smem:$0x3FB9] =	sst s0;
	s0 =	simm.s32 @!p1 $0x0  }
0x14: {  	s2 =	sld [smem:$0x3F9D];
	s0 =	simm.s32 @p1 $0x1  }
0x15: {  	[smem:$0x3FBA] =	sst s0;
	s0 =	simm.s32 @!p2 $0x0  }
0x16: {  	s3 =	sld [smem:$0x3FDB];
	s0 =	simm.s32 @p2 $0x1  }
0x17: {  	s4 =	simm.s32 $0x1BF5;
	[smem:$0x3FBC] =	sst s0  }
0x18: {  	s0 =	sld [smem:$0x3F9F];
	_ =	swait.ge [sflag:s4], $0x0  }
0x19: {  	s7 =	sld [smem:$0x3FA0]  }
0x1a: {  	s8 =	sadd.s32 $0xFFFFE003, lr  }
0x1b: {  	s9 =	sadd.s32 $0xFFFFFEF7, lr;
	s5 =	simm.s32 $0xFFFFFFFF;
	p2 =	slt.u32 s8, $0xFFFFF086  }
0x1c: {  	p1 =	slt.u32 s9, $0xF7A;
	s5 =	simm.s32 @!p2 $0x0  }
0x1d: {  	s5 =	simm.s32 @p1 $0x1;
	p0 =	seq.s32 s7, s2  }
0x1e: {  	s7 =	smul.u32 @!p0 $0xF7A, s2;
	p2 =	seq.s32 @!p0 s5, $0x0  }
0x1f: {  	s9 =	smul.u32 $0xF7A, s1;
	s8 =	simm.s32 @!p0 $0x1BF5;
	p2 =	por !p2, p0  }
0x20: {  	[sflag:s8] =	ssyncset.s32 @!p0 $0xFFFFF086;
	s6 =	sadd.s32 @!p0 s3, s7;
	s7 =	simm.s32 @!p0 $0x108  }
0x21: {  	s3 =	sadd.s32 s3, s9;
	s6 =	sadd.s32 @!p0 $0x88, s6;
	s7 =	simm.s32 @p2 $0x1082  }
0x22: {  	[simem:s7], [sflag:s8] =	dma.local @!p0 [hbm:s6], $0xF7A  }
0x23: {  	s9 =	sor.u32 $0xD0000000, s2;
	s6 =	simm.s32 $0x108;
	_ =	swait.ge @!p0 [sflag:s8], $0x0  }
0x24: {  	s3 =	sadd.s32 $0x88, s3;
	s6 =	simm.s32 @!p1 $0x1082;
	[sflag:s4] =	ssyncset.s32 $0xFFFFF086  }
0x25: {  	[simem:s6], [sflag:s4] =	dma.local [hbm:s3], $0xF7A  }
0x26: {  	[smem:$0x3FA0] =	sst s1;
	(tag) =	ssettag s2;
	_ =	strace s9  }
0x27: {  	s1 =	sld [smem:$0x3FB0]  }
0x28: {  	s2 =	sld [smem:$0x3FB1]  }
0x29: {  	s4 =	sld [smem:$0x3FB3]  }
0x2a: {  	p0 =	seq.s32 s5, $0x0;
	s5 =	sld [smem:$0x3FB4]  }
0x2b: {  	s6 =	sld [smem:$0x3FB5]  }
0x2c: {  	s7 =	sld [smem:$0x3FB6]  }
0x2d: {  	s3 =	simm.s32 $0x108;
	s8 =	sld [smem:$0x3FB7]  }
0x2e: {  	s3 =	simm.s32 @!p0 $0x1082;
	s9 =	sld [smem:$0x3FB8]  }
0x2f: {  	lr =	sadd.s32 s0, s3;
	s0 =	sld [smem:$0x3FAF]  }
0x30: {  	s3 =	sld [smem:$0x3FB2]  }
0x31: {  	[smem:$0x3FBB] =	sst s10  }
0x32: {  	s10 =	sld [smem:$0x3FB9];
	_ =	sdelay $0x3  }
0x33: {  	p0 =	seq.s32 s10, $0x1;
	s10 =	sld [smem:$0x3FBB];
	_ =	sdelay $0x3  }
0x34: {  	[smem:$0x3FBB] =	sst s10  }
0x35: {  	s10 =	sld [smem:$0x3FBA];
	_ =	sdelay $0x3  }
0x36: {  	p1 =	seq.s32 s10, $0x1;
	s10 =	sld [smem:$0x3FBB];
	_ =	sdelay $0x3  }
0x37: {  	[smem:$0x3FBB] =	sst s10  }
0x38: {  	s10 =	sld [smem:$0x3FBC]  }
0x39: {  	_ = 	snop;
	(pc) =	sbr.ind lr, $3  }
0x3a: {  	_ = 	snop  }
0x3b: {  	_ = 	snop  }
0x3c: {  	p2 =	seq.s32 s10, $0x1;
	s10 =	sld [smem:$0x3FBB]  }
0x3d: {  	_ =	shalt  }
0x3e: {  	_ =	shalt  }
0x3f: {  	_ =	shalt  }
0x40: {  	_ =	shalt  }
0x41: {  	_ =	shalt  }
0x42: {  	_ =	shalt  }
0x43: {  	_ =	shalt  }
0x44: {  	_ =	shalt  }
0x45: {  	_ =	shalt  }
0x46: {  	_ =	shalt  }
0x47: {  	_ =	shalt  }
0x48: {  	_ =	shalt  }
0x49: {  	_ =	shalt  }
0x4a: {  	_ =	shalt  }
0x4b: {  	_ =	shalt  }
0x4c: {  	_ =	shalt  }
0x4d: {  	_ =	shalt  }
0x4e: {  	_ =	shalt  }
0x4f: {  	_ =	shalt  }
0x50: {  	_ =	shalt  }
0x51: {  	_ =	shalt  }
0x52: {  	_ =	shalt  }
0x53: {  	_ =	shalt  }
0x54: {  	_ =	shalt  }
0x55: {  	_ =	shalt  }
0x56: {  	_ =	shalt  }
0x57: {  	_ =	shalt  }
0x58: {  	_ =	shalt  }
0x59: {  	_ =	shalt  }
0x5a: {  	_ =	shalt  }
0x5b: {  	_ =	shalt  }
0x5c: {  	_ =	shalt  }
0x5d: {  	_ =	shalt  }
0x5e: {  	_ =	shalt  }
0x5f: {  	_ =	shalt  }
0x60: {  	_ =	shalt  }
0x61: {  	_ =	shalt  }
0x62: {  	_ =	shalt  }
0x63: {  	_ =	shalt  }
0x64: {  	_ =	shalt  }
0x65: {  	_ =	shalt  }
0x66: {  	_ =	shalt  }
0x67: {  	_ =	shalt  }
0x68: {  	_ =	shalt  }
0x69: {  	_ =	shalt  }
0x6a: {  	_ =	shalt  }
0x6b: {  	_ =	shalt  }
0x6c: {  	_ =	shalt  }
0x6d: {  	_ =	shalt  }
0x6e: {  	_ =	shalt  }
0x6f: {  	_ =	shalt  }
0x70: {  	_ =	shalt  }
0x71: {  	_ =	shalt  }
0x72: {  	_ =	shalt  }
0x73: {  	_ =	shalt  }
0x74: {  	_ =	shalt  }
0x75: {  	_ =	shalt  }
0x76: {  	_ =	shalt  }
0x77: {  	_ =	shalt  }
0x78: {  	_ =	shalt  }
0x79: {  	_ =	shalt  }
0x7a: {  	_ =	shalt  }
0x7b: {  	_ =	shalt  }
0x7c: {  	_ =	shalt  }
0x7d: {  	_ =	shalt  }
0x7e: {  	_ =	shalt  }
0x7f: {  	_ =	shalt  }
0x80: {  	_ =	shalt  }
0x81: {  	_ =	shalt  }
0x82: {  	_ =	shalt  }
0x83: {  	_ =	shalt  }
0x84: {  	_ =	shalt  }
0x85: {  	_ =	shalt  }
0x86: {  	_ =	shalt  }
0x87: {  	_ =	shalt  }
.Lfunc_end0:
.L_simem_size_0:
called_computation_lowered:
.L_overlay_start_0:
0x88: {  	s2 =	sld [smem:$0x3FD9]  }
0x89: {  	s3 =	sld [smem:$0x3FFE];
	_ =	sdelay $0x1  }
0x8a: {  	s1 =	srdreg.scid  }
0x8b: {  	s0 =	sand.u32 $0x1, s1  }
0x8c: {  	s17 =	sshll.u32 s0, $0xA;
	s2 =	sadd.s32 s3, s2  }
0x8d: {  	s2 =	sadd.s32 s2, s17  }
0x8e: {  	[smem:$0x3FC7] =	sst s2  }
0x8f: {  	_ = 	snop  }
0x90: {  	s2 =	sld [smem:$0x3FC9]  }
0x91: {  	s18 =	sld [smem:$0x3FD0];
	(tm) =	ssettm $0x1  }
0x92: {  	s4 =	sld [smem:$0x3FFB];
	_ =	sdelay $0x3  }
0x93: {  	_ =	strace s4  }
0x94: {  	s4 =	sld [smem:$0x3FFC];
	_ =	sdelay $0x3  }
0x95: {  	_ =	strace s4  }
0x96: {  	s4 =	sld [smem:$0x3FFD];
	_ =	sdelay $0x3  }
0x97: {  	_ =	strace s4  }
0x98: {  	_ =	strace $0x8FFFFFFF  }
0x99: {  	s19 =	sld [smem:$0x3FDB];
	_ =	sdelay $0x1  }
0x9a: {  	s5 =	simm.s32 $_scs_section_size  }
0x9b: {  	s6 =	simm.s32 $_size__tile_overlayer_lowered;
	s7 =	simm.s32 $_tile_overlayer_lowered  }
0x9c: {  	s22 =	simm.s32 $0x1BFF;
	s21 =	sshll.u32 s7, $0x1;
	s4 =	sadd.s32 s5, s19  }
0x9d: {  	s8 =	simm.s32 $0x0;
	s20 =	sshll.u32 s6, $0x1;
	s6 =	sadd.s32 s21, s4  }
0x9e: {  	[timem:s8], [sflag:s22] =	dma.local [hbm:s6], s20  }
0x9f: {  	_ =	swait.ge [sflag:s22], s20  }
0xa0: {  	s5 =	ssub.s32 $0x0, s20;
	[sflag:s22] =	ssyncset.done $0x0  }
0xa1: {  	[sflag:s22] =	ssyncadd.s32 s5;
	_ =	sdelay $0x1  }
0xa2: {  	s23 =	simm.s32 $0x1B8B  }
0xa3: {  	_ =	swait.ge [sflag:s23], $0x1  }
0xa4: {  	[sflag:s23] =	ssyncset.done $0x0  }
0xa5: {  	s25 =	simm.s32 $0x1B8E;
	s24 =	sld [smem:$0x3FFE];
	[sflag:s23] =	ssyncadd.s32 $0xFFFFFFFF  }
0xa6: {  	s26 =	simm.s32 $execute0_lowered;
	[smem:$0x3FD2] =	sst s25  }
0xa7: {  	s6 =	sshll.u32 s26, $0x1;
	_ =	strace $0x80000046;
	[dreg:$0x1] =	wrdreg $0xFFFFFFFF  }
0xa8: {  	s28 =	simm.s32 $_size_execute0_lowered;
	s4 =	sadd.s32 s4, s6;
	[dreg:$0x0] =	wrdreg $0x0  }
0xa9: {  	s6 =	sshll.u32 s28, $0x1;
	[dreg:$0x2] =	wrdreg s4  }
0xaa: {  	[dreg:$0x3] =	wrdreg s6  }
0xab: {  	[dreg:$0x4] =	wrdreg $0xC0  }
0xac: {  	_ =	task [dreg:s8], $0x5FFFF  }
0xad: {  	[dreg:$0x1] =	wrdreg $0xFFFFFFFF  }
0xae: {  	[dreg:$0x0] =	wrdreg $0x60  }
0xaf: {  	[dreg:$0x2] =	wrdreg s2  }
0xb0: {  	[dreg:$0x3] =	wrdreg s24  }
0xb1: {  	[dreg:$0x4] =	wrdreg s18  }
0xb2: {  	[dreg:$0x5] =	wrdreg $0x0  }
0xb3: {  	[dreg:$0x6] =	wrdreg $0x9  }
0xb4: {  	_ =	task.clear_ibuf [dreg:s8], $0x7FFFF;
	_ =	strace $0x90000046  }
0xb5: {  	s29 =	simm.s32 $0x9;
	_ =	strace $0x80000048  }
0xb6: {  	_ =	swait.ge [sflag:s29], $0x1  }
0xb7: {  	[sflag:s29] =	ssyncadd.s32 $0xFFFFFFFF  }
0xb8: {  	_ =	strace $0x90000048  }
0xb9: {  	_ =	sfence  }
0xba: {  	s30 =	sld [smem:$0x0];
	_ =	sdelay $0x2  }
0xbb: {  	s31 =	sshll.u32 s1, $0xD;
	s1 =	sshrl.u32 s1, $0x2  }
0xbc: {  	s3 =	sand.u32 $0x4000, s31;
	s1 =	sadd.s32 s1, s30  }
0xbd: {  	s0 =	sor.u32 s3, s0;
	s1 =	sshll.u32 s1, $0x11  }
0xbe: {  	s0 =	sor.u32 s1, s0  }
0xbf: {  	s0 =	sadd.s32 $0x8F2B, s0  }
0xc0: {  	[sflag:s0] =	ssyncadd.remote.s32 $0x1  }
0xc1: {  	_ =	sfence.sel $0xFFFF  }
0xc2: {  	[dreg:$0x0] =	wrdreg $0xFFFFFFFF;
	(pc) =	sbr.abs _section_cstart, $3  }
0xc3: {  	[dreg:$0x1] =	wrdreg $0xFFFFFFFF  }
0xc4: {  	_ =	task.clear_ibuf [dreg:s8], $0x2FFFF;
	_ =	strace $0x9FFFFFFF  }
0xc5: {  	(tm) =	ssettm $0x7FFFFFFF  }
tec
execute0_lowered:
.L_overlay_start_1:
0x0: {  	(tag) =	ssettag $0x1  }
0x1: {  	s24 =	rddreg [dreg:$0x0];
	s7 =	stileid.u32  }
0x2: {  	s2 =	rddreg [dreg:$0x1];
	s0 =	srdreg.scid;
	s1 =	sshll.u32 s7, $0x1  }
0x3: {  	s26 =	rddreg [dreg:$0x2];
	s28 =	sand.u32 $0x1, s0;
	s1 =	sand.u32 $0x2, s1  }
0x4: {  	s9 =	rddreg [dreg:$0x3];
	s6 =	sshrl.u32 s7, $0x1;
	s3 =	sor.u32 s28, s1  }
0x5: {  	s2 =	sadd.s32 $0x400, s2;
	s29 =	sshll.u32 s6, $0x15;
	s25 =	sshll.u32 s3, $0x12  }
0x6: {  	p0 =	sne.s32 s7, $0x0;
	s1 =	simm.s32 $0x0;
	s3 =	sor.u32 s29, s25  }
0x7: {  	s23 =	sshll.u32 s7, $0x6;
	[smem:$0x7FF] =	sst s1;
	s3 =	sshrl.u32 s3, $0x3  }
0x8: {  	_ =	strace $0x80000047;
	[dreg:$0x5] =	wrdreg s2;
	s2 =	sadd.s32 s26, s3  }
0x9: {  	s4 =	sshrl.u32 @!p0 s9, $0x3;
	s8 =	rddreg [dreg:$0x5];
	s3 =	sadd.s32 $0x20000, s2  }
0xa: {  	s5 =	simm.s32 @!p0 $0x1C04;
	[dreg:$0x6] =	wrdreg s3;
	s3 =	simm.s32 @!p0 $0x4  }
0xb: {  	[spmem:s4], [sflag:s5] =	dma.local @!p0 [hbm:s8], $0x8000  }
0xc: {  	s7 =	simm.s32 $0x4000;
	s30 =	sshll.u32 s6, $0x14;
	_ =	swait.ge @!p0 [sflag:s3], $0x8000  }
0xd: {  	s9 =	sshrl.u32 s9, $0x3;
	s6 =	sor.u32 s30, s25;
	[sflag:s3] =	ssyncset.done @!p0 $0x0  }
0xe: {  	s15 =	sor.u32 $0x8000, s25;
	s6 =	sshrl.u32 s6, $0x3;
	[sflag:s3] =	ssyncadd.s32 @!p0 $0xFFFF8000  }
0xf: {  	s22 =	sor.u32 s30, s15;
	s6 =	sadd.s32 s24, s6;
	[bflag:$0x0] =	sbarrier.arrive $0xFFFF  }
0x10: {  	s11 =	sshrl.u32 s22, $0x3;
	s8 =	sor.u32 $0x1C03, s23;
	s10 =	rddreg [dreg:$0x6]  }
0x11: {  	[hbm:s10], [sflag:s8] =	dma.local [spmem:s9], $0x8000  }
0x12: {  	[tilespmem:s7], [sflag:$0x1] =	stream.linear.gather [hbm4b:s6+s1], $0x8000, $0x38;
	[tilespmem:$0x14000] =	vst v63  }
0x13: {  	s12 =	simm.s32 $0x1;
	s10 =	sadd.s32 s24, s11;
	s11 =	simm.s32 $0xC000  }
0x14: {  	[tilespmem:s11], [sflag:$0x1] =	stream.linear.gather [hbm4b:s10+s1], $0x8000, $0x38;
	[tilespmem:$0x14000] =	vst v63  }
0x15: {  	_ =	swait.ge [sflag:s12], $0x8000  }
0x16: {  	[sflag:s12] =	ssyncset.done $0x0  }
0x17: {  	s13 =	simm.s32 $0x2;
	s17 =	sor.u32 $0x10000, s25;
	[sflag:s12] =	ssyncadd.s32 $0xFFFF8000  }
0x18: {  	[hbm4b:s2+s1] =	stream.linear.scatter [tilespmem:s7], [sflag:$0x2], $0x8000, $0x38;
	[tilespmem:$0x14000] =	vst v63  }
0x19: {  	s14 =	sor.u32 s30, s17;
	_ =	swait.ge [sflag:s13], $0x8000  }
0x1a: {  	s14 =	sshrl.u32 s14, $0x3;
	[sflag:s13] =	ssyncset.done $0x0  }
0x1b: {  	s14 =	sadd.s32 s24, s14;
	[sflag:s13] =	ssyncadd.s32 $0xFFFF8000  }
0x1c: {  	[tilespmem:s7], [sflag:$0x1] =	stream.linear.gather [hbm4b:s14+s1], $0x8000, $0x38;
	[tilespmem:$0x14000] =	vst v63  }
0x1d: {  	s15 =	sor.u32 s29, s15;
	_ =	swait.ge [sflag:s12], $0x8000  }
0x1e: {  	s15 =	sshrl.u32 s15, $0x3;
	[sflag:s12] =	ssyncset.done $0x0  }
0x1f: {  	s19 =	sor.u32 $0x18000, s25;
	s15 =	sadd.s32 s26, s15;
	[sflag:s12] =	ssyncadd.s32 $0xFFFF8000  }
0x20: {  	[hbm4b:s15+s1] =	stream.linear.scatter [tilespmem:s11], [sflag:$0x2], $0x8000, $0x38;
	[tilespmem:$0x14000] =	vst v63  }
0x21: {  	s16 =	sor.u32 s30, s19;
	_ =	swait.ge [sflag:s13], $0x8000  }
0x22: {  	s16 =	sshrl.u32 s16, $0x3;
	[sflag:s13] =	ssyncset.done $0x0  }
0x23: {  	s16 =	sadd.s32 s24, s16;
	[sflag:s13] =	ssyncadd.s32 $0xFFFF8000  }
0x24: {  	[tilespmem:s11], [sflag:$0x1] =	stream.linear.gather [hbm4b:s16+s1], $0x8000, $0x38;
	[tilespmem:$0x14000] =	vst v63  }
0x25: {  	s17 =	sor.u32 s29, s17;
	_ =	swait.ge [sflag:s12], $0x8000  }
0x26: {  	s17 =	sshrl.u32 s17, $0x3;
	[sflag:s12] =	ssyncset.done $0x0  }
0x27: {  	s21 =	sor.u32 $0x20000, s25;
	s17 =	sadd.s32 s26, s17;
	[sflag:s12] =	ssyncadd.s32 $0xFFFF8000  }
0x28: {  	[hbm4b:s17+s1] =	stream.linear.scatter [tilespmem:s7], [sflag:$0x2], $0x8000, $0x38;
	[tilespmem:$0x14000] =	vst v63  }
0x29: {  	s18 =	sor.u32 s30, s21;
	_ =	swait.ge [sflag:s13], $0x8000  }
0x2a: {  	s18 =	sshrl.u32 s18, $0x3;
	[sflag:s13] =	ssyncset.done $0x0  }
0x2b: {  	s18 =	sadd.s32 s24, s18;
	[sflag:s13] =	ssyncadd.s32 $0xFFFF8000  }
0x2c: {  	[tilespmem:s7], [sflag:$0x1] =	stream.linear.gather [hbm4b:s18+s1], $0x8000, $0x38;
	[tilespmem:$0x14000] =	vst v63  }
0x2d: {  	s19 =	sor.u32 s29, s19;
	_ =	swait.ge [sflag:s12], $0x8000  }
0x2e: {  	s19 =	sshrl.u32 s19, $0x3;
	[sflag:s12] =	ssyncset.done $0x0  }
0x2f: {  	s19 =	sadd.s32 s26, s19;
	s23 =	sor.u32 $0x28000, s25;
	[sflag:s12] =	ssyncadd.s32 $0xFFFF8000  }
0x30: {  	[hbm4b:s19+s1] =	stream.linear.scatter [tilespmem:s11], [sflag:$0x2], $0x8000, $0x38;
	[tilespmem:$0x14000] =	vst v63  }
0x31: {  	s20 =	sor.u32 s30, s23;
	_ =	swait.ge [sflag:s13], $0x8000  }
0x32: {  	s20 =	sshrl.u32 s20, $0x3;
	[sflag:s13] =	ssyncset.done $0x0  }
0x33: {  	s20 =	sadd.s32 s24, s20;
	[sflag:s13] =	ssyncadd.s32 $0xFFFF8000  }
0x34: {  	[tilespmem:s11], [sflag:$0x1] =	stream.linear.gather [hbm4b:s20+s1], $0x8000, $0x38;
	[tilespmem:$0x14000] =	vst v63  }
0x35: {  	s21 =	sor.u32 s29, s21;
	_ =	swait.ge [sflag:s12], $0x8000  }
0x36: {  	s21 =	sshrl.u32 s21, $0x3;
	[sflag:s12] =	ssyncset.done $0x0  }
0x37: {  	s31 =	sor.u32 $0x30000, s25;
	s21 =	sadd.s32 s26, s21;
	[sflag:s12] =	ssyncadd.s32 $0xFFFF8000  }
0x38: {  	[hbm4b:s21+s1] =	stream.linear.scatter [tilespmem:s7], [sflag:$0x2], $0x8000, $0x38;
	[tilespmem:$0x14000] =	vst v63  }
0x39: {  	s22 =	sor.u32 s30, s31;
	_ =	swait.ge [sflag:s13], $0x8000  }
0x3a: {  	s22 =	sshrl.u32 s22, $0x3;
	[sflag:s13] =	ssyncset.done $0x0  }
0x3b: {  	s22 =	sadd.s32 s24, s22;
	[sflag:s13] =	ssyncadd.s32 $0xFFFF8000  }
0x3c: {  	[tilespmem:s7], [sflag:$0x1] =	stream.linear.gather [hbm4b:s22+s1], $0x8000, $0x38;
	[tilespmem:$0x14000] =	vst v63  }
0x3d: {  	s23 =	sor.u32 s29, s23;
	_ =	swait.ge [sflag:s12], $0x8000  }
0x3e: {  	s23 =	sshrl.u32 s23, $0x3;
	[sflag:s12] =	ssyncset.done $0x0  }
0x3f: {  	s0 =	sor.u32 $0x38000, s25;
	s23 =	sadd.s32 s26, s23;
	[sflag:s12] =	ssyncadd.s32 $0xFFFF8000  }
0x40: {  	[hbm4b:s23+s1] =	stream.linear.scatter [tilespmem:s11], [sflag:$0x2], $0x8000, $0x38;
	[tilespmem:$0x14000] =	vst v63  }
0x41: {  	s25 =	sor.u32 s30, s0;
	_ =	swait.ge [sflag:s13], $0x8000  }
0x42: {  	s25 =	sshrl.u32 s25, $0x3;
	[sflag:s13] =	ssyncset.done $0x0  }
0x43: {  	s24 =	sadd.s32 s24, s25;
	[sflag:s13] =	ssyncadd.s32 $0xFFFF8000  }
0x44: {  	[tilespmem:s11], [sflag:$0x1] =	stream.linear.gather [hbm4b:s24+s1], $0x8000, $0x38;
	[tilespmem:$0x14000] =	vst v63  }
0x45: {  	s30 =	sor.u32 s29, s31;
	_ =	swait.ge [sflag:s12], $0x8000  }
0x46: {  	s0 =	sor.u32 s29, s0;
	s25 =	sshrl.u32 s30, $0x3;
	[sflag:s12] =	ssyncset.done $0x0  }
0x47: {  	s31 =	ssub.s32 $0x2, s28;
	s25 =	sadd.s32 s26, s25;
	[sflag:s12] =	ssyncadd.s32 $0xFFFF8000  }
0x48: {  	[hbm4b:s25+s1] =	stream.linear.scatter [tilespmem:s7], [sflag:$0x2], $0x8000, $0x38;
	[tilespmem:$0x14000] =	vst v63  }
0x49: {  	s0 =	sshrl.u32 s0, $0x3;
	s28 =	sshrl.u32 s31, $0x1;
	_ =	swait.ge [sflag:s12], $0x8000  }
0x4a: {  	s26 =	sadd.s32 s26, s0;
	s0 =	ssub.s32 s31, s28;
	[sflag:s12] =	ssyncset.done $0x0  }
0x4b: {  	s0 =	smax.u32 s0, $0x1;
	[sflag:s12] =	ssyncadd.s32 $0xFFFF8000  }
0x4c: {  	[hbm4b:s26+s1] =	stream.linear.scatter [tilespmem:s11], [sflag:$0x2], $0x8000, $0x38;
	[tilespmem:$0x14000] =	vst v63  }
0x4d: {  	s28 =	sadd.s32 $0xFFFFFFFF, s0;
	_ =	swait.ge [sflag:s13], $0x8000  }
0x4e: {  	p1 =	sne.s32 s28, $0x0;
	[sflag:s13] =	ssyncset.done $0x0  }
.Ltmp0:
0x4f: {  	[sflag:s13] =	ssyncadd.s32 $0xFFFF8000;
	(pc) =	sbr.rel @!p1 .LBB2_2-.Ltmp0, $4  }
0x50: {  	_ =	swait.ge [sflag:s13], $0x8000  }
0x51: {  	[sflag:s13] =	ssyncset.done $0x0  }
0x52: {  	s29 =	simm.s32 $0x3;
	[sflag:s13] =	ssyncadd.s32 $0xFFFF8000  }
0x53: {  	_ =	swait.ge [sflag:s29], $0x8000  }
.LBB2_1:
0x54: {  	[sflag:s29] =	ssyncset.done $0x0  }
0x55: {  	s0 =	rddreg [dreg:$0x5];
	[sflag:s29] =	ssyncadd.s32 $0xFFFF8000  }
0x56: {  	[spmem:s4], [sflag:s5] =	dma.local @!p0 [hbm:s0], $0x8000  }
0x57: {  	_ =	swait.ge @!p0 [sflag:s3], $0x8000  }
0x58: {  	[sflag:s3] =	ssyncset.done @!p0 $0x0  }
0x59: {  	[sflag:s3] =	ssyncadd.s32 @!p0 $0xFFFF8000  }
0x5a: {  	[bflag:$0x0] =	sbarrier.arrive $0xFFFF  }
0x5b: {  	s31 =	rddreg [dreg:$0x6]  }
0x5c: {  	[hbm:s31], [sflag:s8] =	dma.local [spmem:s9], $0x8000  }
0x5d: {  	[tilespmem:s7], [sflag:$0x1] =	stream.linear.gather [hbm4b:s6+s1], $0x8000, $0x38;
	[tilespmem:$0x14000] =	vst v63  }
0x5e: {  	_ = 	snop  }
0x5f: {  	[tilespmem:s11], [sflag:$0x1] =	stream.linear.gather [hbm4b:s10+s1], $0x8000, $0x38;
	[tilespmem:$0x14000] =	vst v63  }
0x60: {  	_ =	swait.ge [sflag:s12], $0x8000  }
0x61: {  	[sflag:s12] =	ssyncset.done $0x0  }
0x62: {  	[sflag:s12] =	ssyncadd.s32 $0xFFFF8000  }
0x63: {  	[hbm4b:s2+s1] =	stream.linear.scatter [tilespmem:s7], [sflag:$0x2], $0x8000, $0x38;
	[tilespmem:$0x14000] =	vst v63  }
0x64: {  	_ =	swait.ge [sflag:s13], $0x8000  }
0x65: {  	[sflag:s13] =	ssyncset.done $0x0  }
0x66: {  	[sflag:s13] =	ssyncadd.s32 $0xFFFF8000  }
0x67: {  	[tilespmem:s7], [sflag:$0x1] =	stream.linear.gather [hbm4b:s14+s1], $0x8000, $0x38;
	[tilespmem:$0x14000] =	vst v63  }
0x68: {  	_ =	swait.ge [sflag:s12], $0x8000  }
0x69: {  	[sflag:s12] =	ssyncset.done $0x0  }
0x6a: {  	[sflag:s12] =	ssyncadd.s32 $0xFFFF8000  }
0x6b: {  	[hbm4b:s15+s1] =	stream.linear.scatter [tilespmem:s11], [sflag:$0x2], $0x8000, $0x38;
	[tilespmem:$0x14000] =	vst v63  }
0x6c: {  	_ =	swait.ge [sflag:s13], $0x8000  }
0x6d: {  	[sflag:s13] =	ssyncset.done $0x0  }
0x6e: {  	[sflag:s13] =	ssyncadd.s32 $0xFFFF8000  }
0x6f: {  	[tilespmem:s11], [sflag:$0x1] =	stream.linear.gather [hbm4b:s16+s1], $0x8000, $0x38;
	[tilespmem:$0x14000] =	vst v63  }
0x70: {  	_ =	swait.ge [sflag:s12], $0x8000  }
0x71: {  	[sflag:s12] =	ssyncset.done $0x0  }
0x72: {  	[sflag:s12] =	ssyncadd.s32 $0xFFFF8000  }
0x73: {  	[hbm4b:s17+s1] =	stream.linear.scatter [tilespmem:s7], [sflag:$0x2], $0x8000, $0x38;
	[tilespmem:$0x14000] =	vst v63  }
0x74: {  	_ =	swait.ge [sflag:s13], $0x8000  }
0x75: {  	[sflag:s13] =	ssyncset.done $0x0  }
0x76: {  	[sflag:s13] =	ssyncadd.s32 $0xFFFF8000  }
0x77: {  	[tilespmem:s7], [sflag:$0x1] =	stream.linear.gather [hbm4b:s18+s1], $0x8000, $0x38;
	[tilespmem:$0x14000] =	vst v63  }
0x78: {  	_ =	swait.ge [sflag:s12], $0x8000  }
0x79: {  	[sflag:s12] =	ssyncset.done $0x0  }
0x7a: {  	[sflag:s12] =	ssyncadd.s32 $0xFFFF8000  }
0x7b: {  	[hbm4b:s19+s1] =	stream.linear.scatter [tilespmem:s11], [sflag:$0x2], $0x8000, $0x38;
	[tilespmem:$0x14000] =	vst v63  }
0x7c: {  	_ =	swait.ge [sflag:s13], $0x8000  }
0x7d: {  	[sflag:s13] =	ssyncset.done $0x0  }
0x7e: {  	[sflag:s13] =	ssyncadd.s32 $0xFFFF8000  }
0x7f: {  	[tilespmem:s11], [sflag:$0x1] =	stream.linear.gather [hbm4b:s20+s1], $0x8000, $0x38;
	[tilespmem:$0x14000] =	vst v63  }
0x80: {  	_ =	swait.ge [sflag:s12], $0x8000  }
0x81: {  	[sflag:s12] =	ssyncset.done $0x0  }
0x82: {  	[sflag:s12] =	ssyncadd.s32 $0xFFFF8000  }
0x83: {  	[hbm4b:s21+s1] =	stream.linear.scatter [tilespmem:s7], [sflag:$0x2], $0x8000, $0x38;
	[tilespmem:$0x14000] =	vst v63  }
0x84: {  	_ =	swait.ge [sflag:s13], $0x8000  }
0x85: {  	[sflag:s13] =	ssyncset.done $0x0  }
0x86: {  	[sflag:s13] =	ssyncadd.s32 $0xFFFF8000  }
0x87: {  	[tilespmem:s7], [sflag:$0x1] =	stream.linear.gather [hbm4b:s22+s1], $0x8000, $0x38;
	[tilespmem:$0x14000] =	vst v63  }
0x88: {  	_ =	swait.ge [sflag:s12], $0x8000  }
0x89: {  	[sflag:s12] =	ssyncset.done $0x0  }
0x8a: {  	[sflag:s12] =	ssyncadd.s32 $0xFFFF8000  }
0x8b: {  	[hbm4b:s23+s1] =	stream.linear.scatter [tilespmem:s11], [sflag:$0x2], $0x8000, $0x38;
	[tilespmem:$0x14000] =	vst v63  }
0x8c: {  	_ =	swait.ge [sflag:s13], $0x8000  }
0x8d: {  	[sflag:s13] =	ssyncset.done $0x0  }
0x8e: {  	[sflag:s13] =	ssyncadd.s32 $0xFFFF8000  }
0x8f: {  	[tilespmem:s11], [sflag:$0x1] =	stream.linear.gather [hbm4b:s24+s1], $0x8000, $0x38;
	[tilespmem:$0x14000] =	vst v63  }
0x90: {  	_ =	swait.ge [sflag:s12], $0x8000  }
0x91: {  	[sflag:s12] =	ssyncset.done $0x0  }
0x92: {  	[sflag:s12] =	ssyncadd.s32 $0xFFFF8000  }
0x93: {  	[hbm4b:s25+s1] =	stream.linear.scatter [tilespmem:s7], [sflag:$0x2], $0x8000, $0x38;
	[tilespmem:$0x14000] =	vst v63  }
0x94: {  	_ =	swait.ge [sflag:s12], $0x8000  }
0x95: {  	[sflag:s12] =	ssyncset.done $0x0  }
0x96: {  	[sflag:s12] =	ssyncadd.s32 $0xFFFF8000  }
0x97: {  	[hbm4b:s26+s1] =	stream.linear.scatter [tilespmem:s11], [sflag:$0x2], $0x8000, $0x38;
	[tilespmem:$0x14000] =	vst v63  }
0x98: {  	s28 =	sadd.s32 $0xFFFFFFFF, s28;
	_ =	swait.ge [sflag:s13], $0x8000  }
0x99: {  	p1 =	sne.s32 s28, $0x0;
	[sflag:s13] =	ssyncset.done $0x0  }
.Ltmp1:
0x9a: {  	[sflag:s13] =	ssyncadd.s32 $0xFFFF8000;
	(pc) =	sbr.rel @p1 .LBB2_1-.Ltmp1, $4  }
0x9b: {  	_ =	swait.ge [sflag:s13], $0x8000  }
0x9c: {  	[sflag:s13] =	ssyncset.done $0x0  }
0x9d: {  	[sflag:s13] =	ssyncadd.s32 $0xFFFF8000  }
0x9e: {  	_ =	swait.ge [sflag:s29], $0x8000  }
.LBB2_2:
0x9f: {  	[sflag:s29] =	ssyncset.done $0x0  }
0xa0: {  	[sflag:s29] =	ssyncadd.s32 $0xFFFF8000  }
0xa1: {  	_ =	sfence.sel $0x180000  }
0xa2: {  	[bflag:$0x0] =	sbarrier.arrive $0xFFFF  }
0xa3: {  	_ =	strace $0x90000047  }
0xa4: {  	[bflag:$0x2] =	sbarrier.arrive $0xFFFF  }
0xa5: {  	s0 =	rddreg [dreg:$0x4]  }
0xa6: {  	s0 =	sadd.s32 @!p0 $0x100000, s0  }
0xa7: {  	[sflag:s0] =	ssyncadd.tile.s32 @!p0 $0x1;
	_ =	shalt  }
.Lfunc_end2:
_tile_overlayer_lowered:
.L_overlay_start_2:
0xa8: {  	(tag) =	ssettag $0x2  }
0xa9: {  	s0 =	rddreg [dreg:$0x0];
	s2 =	stileid.u32  }
0xaa: {  	s1 =	rddreg [dreg:$0x1];
	p0 =	sne.s32 s2, $0x0  }
0xab: {  	s3 =	rddreg [dreg:$0x2];
	[bflag:$0x3] =	sbarrier.arrive $0xFFFF;
	s2 =	simm.s32 @!p0 $0x1C05  }
0xac: {  	[timem:s3], [sflag:s2] =	dma.local @!p0 [hbm:s0], s1  }
0xad: {  	s0 =	simm.s32 @!p0 $0x5  }
0xae: {  	_ =	swait.ge @!p0 [sflag:s0], s1  }
0xaf: {  	s1 =	ssub.s32 @!p0 $0x0, s1;
	[sflag:s0] =	ssyncset.done @!p0 $0x0  }
0xb0: {  	[sflag:s0] =	ssyncadd.s32 @!p0 s1  }
0xb1: {  	[bflag:$0x3] =	sbarrier.arrive $0xFFFF  }
0xb2: {  	_ =	shalt  }

</sc_bundles>
